<compile_context>
chip_gen: v7x
topology: tpu7x:2x2x1
jax: 0.10.2.dev20260603
libtpu: 0.0.44.dev20260713+nightly
codegen_flags: <defaults>
</compile_context>

<pallas_src>
import functools

import jax
import jax.numpy as jnp
from jax import lax
from jax.experimental import pallas as pl
from jax.experimental.pallas import tpu as pltpu
from jax.experimental.pallas import tpu_sc as plsc

N = 10000
NP = 10240
E = 320000
EP = 327680
D = 128
H = 128
G = 16
NC, NS = 2, 16
BK = 128
NB1 = EP // (NC * NS * BK)
RPT = NP // NS

_mesh2 = plsc.VectorSubcoreMesh(
    core_axis_name="c", subcore_axis_name="s", num_cores=NC, num_subcores=NS)


@functools.partial(
    pl.kernel,
    out_type=jax.ShapeDtypeStruct((NC, NP), jnp.float32),
    mesh=_mesh2,
    scratch_types=[
        pltpu.VMEM((NB1, BK), jnp.int32),
        pltpu.VMEM((BK,), jnp.float32),
        pltpu.VMEM((RPT,), jnp.float32),
        pltpu.VMEM_SHARED((NP,), jnp.float32),
    ],
)
def _deg_kernel(col_hbm, out_hbm, colv, ones_v, zeros_v, hist):
    cid = lax.axis_index("c")
    sid = lax.axis_index("s")
    wid = cid * NS + sid
    base = sid * RPT
    pltpu.sync_copy(col_hbm.at[wid], colv)
    zero16 = jnp.zeros((16,), jnp.float32)
    one16 = jnp.full((16,), 1.0, jnp.float32)
    for r in range(BK // 16):
        ones_v[pl.ds(r * 16, 16)] = one16
    for r in range(RPT // 16):
        zeros_v[pl.ds(r * 16, 16)] = zero16
    pltpu.sync_copy(zeros_v, hist.at[pl.ds(base, RPT)])
    plsc.subcore_barrier()

    def hbody(j, carry):
        pltpu.sync_copy(ones_v, hist.at[colv.at[j]], add=True)
        return carry

    lax.fori_loop(0, NB1, hbody, 0)
    plsc.subcore_barrier()
    pltpu.sync_copy(hist.at[pl.ds(base, RPT)],
                    out_hbm.at[cid, pl.ds(base, RPT)])


_BLK = 1024


def _y_body(x_ref, w_ref, dp_ref, y_ref):
    deg = dp_ref[0] + dp_ref[1] + 1.0
    dis = 1.0 / jnp.sqrt(deg)
    xw = jnp.dot(x_ref[...], w_ref[...], preferred_element_type=jnp.float32)
    y_ref[...] = dis * xw


def _y_call(x_p, W_conv, deg2):
    return pl.pallas_call(
        _y_body,
        grid=(NP // _BLK,),
        in_specs=[
            pl.BlockSpec((_BLK, D), lambda i: (i, 0)),
            pl.BlockSpec((D, H), lambda i: (0, 0)),
            pl.BlockSpec((NC, _BLK, 1), lambda i: (0, i, 0)),
        ],
        out_specs=pl.BlockSpec((_BLK, H), lambda i: (i, 0)),
        out_shape=jax.ShapeDtypeStruct((NP, H), jnp.float32),
    )(x_p, W_conv, deg2)


CCHUNK = 40


@functools.partial(
    pl.kernel,
    out_type=jax.ShapeDtypeStruct((NC, NP, H), jnp.float32),
    mesh=_mesh2,
    scratch_types=[
        pltpu.VMEM((NB1, BK), jnp.int32),
        pltpu.VMEM((CCHUNK, BK), jnp.int32),
        pltpu.VMEM((BK, H), jnp.float32),
        pltpu.VMEM((BK, H), jnp.float32),
        pltpu.VMEM_SHARED((NP, H), jnp.float32),
        pltpu.SemaphoreType.DMA,
        pltpu.SemaphoreType.DMA,
    ],
)
def _gs_kernel(y_hbm, row_hbm, col_hbm, out_hbm,
               rowv, colv, b0, b1, acc, s0, s1):
    cid = lax.axis_index("c")
    sid = lax.axis_index("s")
    wid = cid * NS + sid
    base = sid * RPT
    bufs = (b0, b1)
    sems = (s0, s1)

    pltpu.sync_copy(row_hbm.at[wid], rowv)
    pltpu.sync_copy(col_hbm.at[wid, pl.ds(0, CCHUNK)], colv)
    pltpu.async_copy(y_hbm.at[rowv.at[0]], b0, s0)
    pltpu.async_copy(y_hbm.at[rowv.at[1]], b1, s1)
    pltpu.sync_copy(y_hbm.at[pl.ds(base, RPT)], acc.at[pl.ds(base, RPT)])
    plsc.subcore_barrier()

    def body(t, carry):
        @pl.when(t == CCHUNK // 2)
        def _():
            pltpu.sync_copy(col_hbm.at[wid, pl.ds(CCHUNK, CCHUNK)], colv)

        for b in range(2):
            j = 2 * t + b
            cj = jnp.where(j >= CCHUNK, j - CCHUNK, j)
            pltpu.make_async_copy(y_hbm.at[pl.ds(0, BK)],
                                  bufs[b], sems[b]).wait()
            pltpu.sync_copy(bufs[b], acc.at[colv.at[cj]], add=True)
            pltpu.async_copy(y_hbm.at[rowv.at[j + 2]], bufs[b], sems[b])
        return carry

    lax.fori_loop(0, NB1 // 2 - 1, body, 0)
    for b in range(2):
        j = NB1 - 2 + b
        pltpu.make_async_copy(y_hbm.at[pl.ds(0, BK)],
                              bufs[b], sems[b]).wait()
        pltpu.sync_copy(bufs[b], acc.at[colv.at[j - CCHUNK]], add=True)

    plsc.subcore_barrier()
    pltpu.sync_copy(acc.at[pl.ds(base, RPT)],
                    out_hbm.at[cid, pl.ds(base, RPT)])


def _pool_body(hp_ref, y_ref, dp_ref, b_ref, bc_ref, wl_ref, bl_ref,
               out_ref, xpool_ref, pool_acc):
    i = pl.program_id(0)

    @pl.when(i == 0)
    def _():
        pool_acc[...] = jnp.full((G + 1, H), -jnp.inf, jnp.float32)

    deg = dp_ref[0] + dp_ref[1] + 1.0
    dis = 1.0 / jnp.sqrt(deg)
    h = dis * (hp_ref[0] + hp_ref[1] - y_ref[...]) + bc_ref[...]
    h = jnp.where(h > 0, h, 0.01 * h)
    b2 = b_ref[0]
    neg = jnp.float32(-jnp.inf)
    gmin = jnp.min(b2)
    gmax = jnp.max(b2)

    def pool_one(g, carry):
        m2 = jnp.max(jnp.where(b2 == g, h, neg), axis=0, keepdims=True)
        cur = pool_acc[pl.ds(g, 1), :]
        pool_acc[pl.ds(g, 1), :] = jnp.maximum(cur, m2)
        return carry

    lax.fori_loop(gmin, gmax + 1, pool_one, 0)

    @pl.when(i == (NP // _BLK) - 1)
    def _():
        xp = pool_acc[pl.ds(0, G), :]
        xpool_ref[...] = xp
        out_ref[...] = (jnp.dot(xp, wl_ref[...],
                                preferred_element_type=jnp.float32)
                        + bl_ref[...])


def _pool_call(hp, y, deg2, batch3, b_conv2, W_lin, b_lin2):
    return pl.pallas_call(
        _pool_body,
        grid=(NP // _BLK,),
        in_specs=[
            pl.BlockSpec((NC, _BLK, H), lambda i: (0, i, 0)),
            pl.BlockSpec((_BLK, H), lambda i: (i, 0)),
            pl.BlockSpec((NC, _BLK, 1), lambda i: (0, i, 0)),
            pl.BlockSpec((1, _BLK, 1), lambda i: (i, 0, 0)),
            pl.BlockSpec((1, H), lambda i: (0, 0)),
            pl.BlockSpec((H, 10), lambda i: (0, 0)),
            pl.BlockSpec((1, 10), lambda i: (0, 0)),
        ],
        out_specs=[
            pl.BlockSpec((G, 10), lambda i: (0, 0)),
            pl.BlockSpec((G, H), lambda i: (0, 0)),
        ],
        out_shape=[
            jax.ShapeDtypeStruct((G, 10), jnp.float32),
            jax.ShapeDtypeStruct((G, H), jnp.float32),
        ],
        scratch_shapes=[pltpu.VMEM((G + 1, H), jnp.float32)],
    )(hp, y, deg2, batch3, b_conv2, W_lin, b_lin2)


def kernel(x, edge_index, batch, W_conv, b_conv, W_lin, b_lin):
    pad_idx = N + (jnp.arange(EP - E, dtype=jnp.int32) % (NP - N))
    row_p = jnp.concatenate([edge_index[0], pad_idx])
    col_p = jnp.concatenate([edge_index[1], pad_idx])
    x_p = jnp.pad(x, ((0, NP - N), (0, 0)))
    batch3 = jnp.pad(batch, (0, NP - N), constant_values=G).reshape(
        NP // _BLK, _BLK, 1)

    row3 = row_p.reshape(NC * NS, NB1, BK)
    col3 = col_p.reshape(NC * NS, NB1, BK)
    deg1 = _deg_kernel(col3).reshape(NC, NP, 1)
    y = _y_call(x_p, W_conv, deg1)
    hp = _gs_kernel(y, row3, col3)
    out, x_pool = _pool_call(hp, y, deg1, batch3, b_conv.reshape(1, H),
                             W_lin, b_lin.reshape(1, 10))
    return (out, x_pool)

# --- scband reference (transcript-rebuilt; emitter-appended) ---
"""Pipeline reference for scband-gcn-63565515981075 (READ-ONLY COPY).

The authoritative reference and input builder live on the scoring server;
editing this copy changes nothing except your own understanding.
"""

import jax, jax.numpy as jnp
import numpy as np

N_NODES = 10000
N_EDGES = 320000
D_FEAT = 128
HIDDEN = 128
CLASSES = 10
N_GRAPHS = 16


def setup_inputs(seed: int = 0) -> dict:
    key = jax.random.key(seed)
    k1, k2, k3, k4, k5 = jax.random.split(key, 5)
    x = jax.random.normal(k1, (N_NODES, D_FEAT), dtype=jnp.float32)
    edge_index = jax.random.randint(k2, (2, N_EDGES), 0, N_NODES, dtype=jnp.int32)
    batch = jnp.sort(jax.random.randint(k3, (N_NODES,), 0, N_GRAPHS, dtype=jnp.int32))
    W_conv = jax.random.normal(k4, (D_FEAT, HIDDEN), dtype=jnp.float32) * 0.05
    b_conv = jnp.zeros((HIDDEN,), dtype=jnp.float32)
    W_lin = jax.random.normal(k5, (HIDDEN, CLASSES), dtype=jnp.float32) * 0.05
    b_lin = jnp.zeros((CLASSES,), dtype=jnp.float32)
    return {"x": x, "edge_index": edge_index, "batch": batch, "W_conv": W_conv,
            "b_conv": b_conv, "W_lin": W_lin, "b_lin": b_lin}


def reference(x, edge_index, batch, W_conv, b_conv, W_lin, b_lin):
    N = x.shape[0]
    # --- GCNConv (PyG default: add_self_loops=True, normalize=True, edge_weight=None) ---
    loop = jnp.arange(N, dtype=edge_index.dtype)
    row = jnp.concatenate([edge_index[0], loop])
    col = jnp.concatenate([edge_index[1], loop])
    ew = jnp.ones(row.shape[0], dtype=x.dtype)
    deg = jnp.zeros((N,), dtype=x.dtype).at[col].add(ew)
    deg_inv_sqrt = jnp.where(deg > 0, 1.0 / jnp.sqrt(deg), 0.0)
    norm = deg_inv_sqrt[row] * ew * deg_inv_sqrt[col]
    xw = x @ W_conv
    msgs = norm[:, None] * jnp.take(xw, row, axis=0)
    h = jnp.zeros((N, W_conv.shape[1]), dtype=x.dtype).at[col].add(msgs) + b_conv
    # --- dropout(p=0.0) is identity; LeakyReLU(negative_slope=0.01) ---
    h = jnp.where(h > 0, h, 0.01 * h)
    # --- global_max_pool over batch assignment ---
    x_pool = jax.ops.segment_max(h, batch, num_segments=N_GRAPHS)
    # --- final linear ---
    out = x_pool @ W_lin + b_lin
    return (out, x_pool)

if __name__ == "__main__":
    import jax
    _d = setup_inputs()
    print(jax.jit(kernel)(*tuple(_d.values())))

</pallas_src>

<mosaic_0001>
#map = affine_map<(d0, d1) -> (0, 0, 0)>
#map1 = affine_map<(d0, d1) -> (0, 0)>
module attributes {stable_mosaic.version = 14 : i64} {
  func.func @_deg_kernel(%arg0: i32, %arg1: i32, %arg2: memref<32x80x128xi32, #tpu.memory_space<hbm>>, %arg3: memref<2x10240xf32, #tpu.memory_space<hbm>>, %arg4: memref<80x128xi32, #tpu.memory_space<vmem>>, %arg5: memref<128xf32, #tpu.memory_space<vmem>>, %arg6: memref<640xf32, #tpu.memory_space<vmem>>, %arg7: memref<10240xf32, #tpu.memory_space<vmem_shared>>) attributes {dimension_semantics = [#tpu.dimension_semantics<core_parallel>, #tpu.dimension_semantics<subcore_parallel>], iteration_bounds = array<i64: 2, 16>, scalar_prefetch = 0 : i64, scratch_operands = 4 : i64, tpu.core_type = #tpu.core_type<sc_vector_subcore>, window_params = [{transform_indices = #map}, {transform_indices = #map1}]} {
    %mul3A = arith.constant 16 : i32
    %mul3A_0 = arith.muli %arg0, %mul3A : i32
    %add3A = arith.addi %mul3A_0, %arg1 : i32
    %mul3A_1 = arith.constant 640 : i32
    %mul3A_2 = arith.muli %arg1, %mul3A_1 : i32
    "tpu.region"() ({
      %run_scoped3A = tpu.sem_alloc : memref<!tpu.dma_semaphore, #tpu.memory_space<semaphore_mem>>
      %dma_start3A = arith.constant 0 : i32
      %dma_start3A_203 = arith.constant 0 : i32
      %dma_start3A_204 = tpu.memref_slice %arg2[%add3A, %dma_start3A, %dma_start3A_203] : memref<32x80x128xi32, #tpu.memory_space<hbm>> -> memref<1x80x128xi32, #tpu.memory_space<hbm>>
      %dma_start3A_205 = tpu.memref_squeeze %dma_start3A_204 : memref<1x80x128xi32, #tpu.memory_space<hbm>> -> memref<80x128xi32, #tpu.memory_space<hbm>>
      %dma_start3A_206 = arith.constant 0 : i32
      %dma_start3A_207 = arith.constant 0 : i32
      %dma_start3A_208 = tpu.memref_slice %arg2[%add3A, %dma_start3A_206, %dma_start3A_207] : memref<32x80x128xi32, #tpu.memory_space<hbm>> -> memref<1x80x128xi32, #tpu.memory_space<hbm>>
      %dma_start3A_209 = tpu.memref_squeeze %dma_start3A_208 : memref<1x80x128xi32, #tpu.memory_space<hbm>> -> memref<80x128xi32, #tpu.memory_space<hbm>>
      tpu.enqueue_dma source(%dma_start3A_209 : memref<80x128xi32, #tpu.memory_space<hbm>>) target(%arg4 : memref<80x128xi32, #tpu.memory_space<vmem>>) target_semaphore(%run_scoped3A : memref<!tpu.dma_semaphore, #tpu.memory_space<semaphore_mem>>)
      %dma_wait3A = arith.constant 0 : i32
      %dma_wait3A_210 = arith.constant 0 : i32
      %dma_wait3A_211 = tpu.memref_slice %arg2[%add3A, %dma_wait3A, %dma_wait3A_210] : memref<32x80x128xi32, #tpu.memory_space<hbm>> -> memref<1x80x128xi32, #tpu.memory_space<hbm>>
      %dma_wait3A_212 = tpu.memref_squeeze %dma_wait3A_211 : memref<1x80x128xi32, #tpu.memory_space<hbm>> -> memref<80x128xi32, #tpu.memory_space<hbm>>
      %dma_wait3A_213 = arith.constant 0 : i32
      %dma_wait3A_214 = arith.constant 0 : i32
      %dma_wait3A_215 = tpu.memref_slice %arg2[%add3A, %dma_wait3A_213, %dma_wait3A_214] : memref<32x80x128xi32, #tpu.memory_space<hbm>> -> memref<1x80x128xi32, #tpu.memory_space<hbm>>
      %dma_wait3A_216 = tpu.memref_squeeze %dma_wait3A_215 : memref<1x80x128xi32, #tpu.memory_space<hbm>> -> memref<80x128xi32, #tpu.memory_space<hbm>>
      tpu.wait_dma2 semaphore(%run_scoped3A : memref<!tpu.dma_semaphore, #tpu.memory_space<semaphore_mem>>) src(%dma_wait3A_216 : memref<80x128xi32, #tpu.memory_space<hbm>>) dst(%arg4 : memref<80x128xi32, #tpu.memory_space<vmem>>)
      tpu.yield
    }) : () -> ()
    %broadcast_in_dim3A = arith.constant 0.000000e+00 : f32
    %broadcast_in_dim3A_3 = vector.broadcast %broadcast_in_dim3A : f32 to vector<16xf32>
    %broadcast_in_dim3A_4 = arith.constant 1.000000e+00 : f32
    %broadcast_in_dim3A_5 = vector.broadcast %broadcast_in_dim3A_4 : f32 to vector<16xf32>
    %swap3A = arith.constant 0 : index
    %swap3A_6 = tpu.vector_load %arg5[%swap3A] {strides = array<i32>} : memref<128xf32, #tpu.memory_space<vmem>>, vector<16xf32>,
    %swap3A_7 = vector.shape_cast %swap3A_6 : vector<16xf32> to vector<16xf32>
    %swap3A_8 = vector.shape_cast %broadcast_in_dim3A_5 : vector<16xf32> to vector<16xf32>
    tpu.vector_store %arg5[%swap3A], %swap3A_8 {strides = array<i32>} : memref<128xf32, #tpu.memory_space<vmem>>, vector<16xf32>,
    %swap3A_9 = arith.constant 16 : index
    %swap3A_10 = tpu.vector_load %arg5[%swap3A_9] {strides = array<i32>} : memref<128xf32, #tpu.memory_space<vmem>>, vector<16xf32>,
    %swap3A_11 = vector.shape_cast %swap3A_10 : vector<16xf32> to vector<16xf32>
    %swap3A_12 = vector.shape_cast %broadcast_in_dim3A_5 : vector<16xf32> to vector<16xf32>
    tpu.vector_store %arg5[%swap3A_9], %swap3A_12 {strides = array<i32>} : memref<128xf32, #tpu.memory_space<vmem>>, vector<16xf32>,
    %swap3A_13 = arith.constant 32 : index
    %swap3A_14 = tpu.vector_load %arg5[%swap3A_13] {strides = array<i32>} : memref<128xf32, #tpu.memory_space<vmem>>, vector<16xf32>,
    %swap3A_15 = vector.shape_cast %swap3A_14 : vector<16xf32> to vector<16xf32>
    %swap3A_16 = vector.shape_cast %broadcast_in_dim3A_5 : vector<16xf32> to vector<16xf32>
    tpu.vector_store %arg5[%swap3A_13], %swap3A_16 {strides = array<i32>} : memref<128xf32, #tpu.memory_space<vmem>>, vector<16xf32>,
    %swap3A_17 = arith.constant 48 : index
    %swap3A_18 = tpu.vector_load %arg5[%swap3A_17] {strides = array<i32>} : memref<128xf32, #tpu.memory_space<vmem>>, vector<16xf32>,
    %swap3A_19 = vector.shape_cast %swap3A_18 : vector<16xf32> to vector<16xf32>
    %swap3A_20 = vector.shape_cast %broadcast_in_dim3A_5 : vector<16xf32> to vector<16xf32>
    tpu.vector_store %arg5[%swap3A_17], %swap3A_20 {strides = array<i32>} : memref<128xf32, #tpu.memory_space<vmem>>, vector<16xf32>,
    %swap3A_21 = arith.constant 64 : index
    %swap3A_22 = tpu.vector_load %arg5[%swap3A_21] {strides = array<i32>} : memref<128xf32, #tpu.memory_space<vmem>>, vector<16xf32>,
    %swap3A_23 = vector.shape_cast %swap3A_22 : vector<16xf32> to vector<16xf32>
    %swap3A_24 = vector.shape_cast %broadcast_in_dim3A_5 : vector<16xf32> to vector<16xf32>
    tpu.vector_store %arg5[%swap3A_21], %swap3A_24 {strides = array<i32>} : memref<128xf32, #tpu.memory_space<vmem>>, vector<16xf32>,
    %swap3A_25 = arith.constant 80 : index
    %swap3A_26 = tpu.vector_load %arg5[%swap3A_25] {strides = array<i32>} : memref<128xf32, #tpu.memory_space<vmem>>, vector<16xf32>,
    %swap3A_27 = vector.shape_cast %swap3A_26 : vector<16xf32> to vector<16xf32>
    %swap3A_28 = vector.shape_cast %broadcast_in_dim3A_5 : vector<16xf32> to vector<16xf32>
    tpu.vector_store %arg5[%swap3A_25], %swap3A_28 {strides = array<i32>} : memref<128xf32, #tpu.memory_space<vmem>>, vector<16xf32>,
    %swap3A_29 = arith.constant 96 : index
    %swap3A_30 = tpu.vector_load %arg5[%swap3A_29] {strides = array<i32>} : memref<128xf32, #tpu.memory_space<vmem>>, vector<16xf32>,
    %swap3A_31 = vector.shape_cast %swap3A_30 : vector<16xf32> to vector<16xf32>
    %swap3A_32 = vector.shape_cast %broadcast_in_dim3A_5 : vector<16xf32> to vector<16xf32>
    tpu.vector_store %arg5[%swap3A_29], %swap3A_32 {strides = array<i32>} : memref<128xf32, #tpu.memory_space<vmem>>, vector<16xf32>,
    %swap3A_33 = arith.constant 112 : index
    %swap3A_34 = tpu.vector_load %arg5[%swap3A_33] {strides = array<i32>} : memref<128xf32, #tpu.memory_space<vmem>>, vector<16xf32>,
    %swap3A_35 = vector.shape_cast %swap3A_34 : vector<16xf32> to vector<16xf32>
    %swap3A_36 = vector.shape_cast %broadcast_in_dim3A_5 : vector<16xf32> to vector<16xf32>
    tpu.vector_store %arg5[%swap3A_33], %swap3A_36 {strides = array<i32>} : memref<128xf32, #tpu.memory_space<vmem>>, vector<16xf32>,
    %swap3A_37 = arith.constant 0 : index
    %swap3A_38 = tpu.vector_load %arg6[%swap3A_37] {strides = array<i32>} : memref<640xf32, #tpu.memory_space<vmem>>, vector<16xf32>,
    %swap3A_39 = vector.shape_cast %swap3A_38 : vector<16xf32> to vector<16xf32>
    %swap3A_40 = vector.shape_cast %broadcast_in_dim3A_3 : vector<16xf32> to vector<16xf32>
    tpu.vector_store %arg6[%swap3A_37], %swap3A_40 {strides = array<i32>} : memref<640xf32, #tpu.memory_space<vmem>>, vector<16xf32>,
    %swap3A_41 = arith.constant 16 : index
    %swap3A_42 = tpu.vector_load %arg6[%swap3A_41] {strides = array<i32>} : memref<640xf32, #tpu.memory_space<vmem>>, vector<16xf32>,
    %swap3A_43 = vector.shape_cast %swap3A_42 : vector<16xf32> to vector<16xf32>
    %swap3A_44 = vector.shape_cast %broadcast_in_dim3A_3 : vector<16xf32> to vector<16xf32>
    tpu.vector_store %arg6[%swap3A_41], %swap3A_44 {strides = array<i32>} : memref<640xf32, #tpu.memory_space<vmem>>, vector<16xf32>,
    %swap3A_45 = arith.constant 32 : index
    %swap3A_46 = tpu.vector_load %arg6[%swap3A_45] {strides = array<i32>} : memref<640xf32, #tpu.memory_space<vmem>>, vector<16xf32>,
    %swap3A_47 = vector.shape_cast %swap3A_46 : vector<16xf32> to vector<16xf32>
    %swap3A_48 = vector.shape_cast %broadcast_in_dim3A_3 : vector<16xf32> to vector<16xf32>
    tpu.vector_store %arg6[%swap3A_45], %swap3A_48 {strides = array<i32>} : memref<640xf32, #tpu.memory_space<vmem>>, vector<16xf32>,
    %swap3A_49 = arith.constant 48 : index
    %swap3A_50 = tpu.vector_load %arg6[%swap3A_49] {strides = array<i32>} : memref<640xf32, #tpu.memory_space<vmem>>, vector<16xf32>,
    %swap3A_51 = vector.shape_cast %swap3A_50 : vector<16xf32> to vector<16xf32>
    %swap3A_52 = vector.shape_cast %broadcast_in_dim3A_3 : vector<16xf32> to vector<16xf32>
    tpu.vector_store %arg6[%swap3A_49], %swap3A_52 {strides = array<i32>} : memref<640xf32, #tpu.memory_space<vmem>>, vector<16xf32>,
    %swap3A_53 = arith.constant 64 : index
    %swap3A_54 = tpu.vector_load %arg6[%swap3A_53] {strides = array<i32>} : memref<640xf32, #tpu.memory_space<vmem>>, vector<16xf32>,
    %swap3A_55 = vector.shape_cast %swap3A_54 : vector<16xf32> to vector<16xf32>
    %swap3A_56 = vector.shape_cast %broadcast_in_dim3A_3 : vector<16xf32> to vector<16xf32>
    tpu.vector_store %arg6[%swap3A_53], %swap3A_56 {strides = array<i32>} : memref<640xf32, #tpu.memory_space<vmem>>, vector<16xf32>,
    %swap3A_57 = arith.constant 80 : index
    %swap3A_58 = tpu.vector_load %arg6[%swap3A_57] {strides = array<i32>} : memref<640xf32, #tpu.memory_space<vmem>>, vector<16xf32>,
    %swap3A_59 = vector.shape_cast %swap3A_58 : vector<16xf32> to vector<16xf32>
    %swap3A_60 = vector.shape_cast %broadcast_in_dim3A_3 : vector<16xf32> to vector<16xf32>
    tpu.vector_store %arg6[%swap3A_57], %swap3A_60 {strides = array<i32>} : memref<640xf32, #tpu.memory_space<vmem>>, vector<16xf32>,
    %swap3A_61 = arith.constant 96 : index
    %swap3A_62 = tpu.vector_load %arg6[%swap3A_61] {strides = array<i32>} : memref<640xf32, #tpu.memory_space<vmem>>, vector<16xf32>,
    %swap3A_63 = vector.shape_cast %swap3A_62 : vector<16xf32> to vector<16xf32>
    %swap3A_64 = vector.shape_cast %broadcast_in_dim3A_3 : vector<16xf32> to vector<16xf32>
    tpu.vector_store %arg6[%swap3A_61], %swap3A_64 {strides = array<i32>} : memref<640xf32, #tpu.memory_space<vmem>>, vector<16xf32>,
    %swap3A_65 = arith.constant 112 : index
    %swap3A_66 = tpu.vector_load %arg6[%swap3A_65] {strides = array<i32>} : memref<640xf32, #tpu.memory_space<vmem>>, vector<16xf32>,
    %swap3A_67 = vector.shape_cast %swap3A_66 : vector<16xf32> to vector<16xf32>
    %swap3A_68 = vector.shape_cast %broadcast_in_dim3A_3 : vector<16xf32> to vector<16xf32>
    tpu.vector_store %arg6[%swap3A_65], %swap3A_68 {strides = array<i32>} : memref<640xf32, #tpu.memory_space<vmem>>, vector<16xf32>,
    %swap3A_69 = arith.constant 128 : index
    %swap3A_70 = tpu.vector_load %arg6[%swap3A_69] {strides = array<i32>} : memref<640xf32, #tpu.memory_space<vmem>>, vector<16xf32>,
    %swap3A_71 = vector.shape_cast %swap3A_70 : vector<16xf32> to vector<16xf32>
    %swap3A_72 = vector.shape_cast %broadcast_in_dim3A_3 : vector<16xf32> to vector<16xf32>
    tpu.vector_store %arg6[%swap3A_69], %swap3A_72 {strides = array<i32>} : memref<640xf32, #tpu.memory_space<vmem>>, vector<16xf32>,
    %swap3A_73 = arith.constant 144 : index
    %swap3A_74 = tpu.vector_load %arg6[%swap3A_73] {strides = array<i32>} : memref<640xf32, #tpu.memory_space<vmem>>, vector<16xf32>,
    %swap3A_75 = vector.shape_cast %swap3A_74 : vector<16xf32> to vector<16xf32>
    %swap3A_76 = vector.shape_cast %broadcast_in_dim3A_3 : vector<16xf32> to vector<16xf32>
    tpu.vector_store %arg6[%swap3A_73], %swap3A_76 {strides = array<i32>} : memref<640xf32, #tpu.memory_space<vmem>>, vector<16xf32>,
    %swap3A_77 = arith.constant 160 : index
    %swap3A_78 = tpu.vector_load %arg6[%swap3A_77] {strides = array<i32>} : memref<640xf32, #tpu.memory_space<vmem>>, vector<16xf32>,
    %swap3A_79 = vector.shape_cast %swap3A_78 : vector<16xf32> to vector<16xf32>
    %swap3A_80 = vector.shape_cast %broadcast_in_dim3A_3 : vector<16xf32> to vector<16xf32>
    tpu.vector_store %arg6[%swap3A_77], %swap3A_80 {strides = array<i32>} : memref<640xf32, #tpu.memory_space<vmem>>, vector<16xf32>,
    %swap3A_81 = arith.constant 176 : index
    %swap3A_82 = tpu.vector_load %arg6[%swap3A_81] {strides = array<i32>} : memref<640xf32, #tpu.memory_space<vmem>>, vector<16xf32>,
    %swap3A_83 = vector.shape_cast %swap3A_82 : vector<16xf32> to vector<16xf32>
    %swap3A_84 = vector.shape_cast %broadcast_in_dim3A_3 : vector<16xf32> to vector<16xf32>
    tpu.vector_store %arg6[%swap3A_81], %swap3A_84 {strides = array<i32>} : memref<640xf32, #tpu.memory_space<vmem>>, vector<16xf32>,
    %swap3A_85 = arith.constant 192 : index
    %swap3A_86 = tpu.vector_load %arg6[%swap3A_85] {strides = array<i32>} : memref<640xf32, #tpu.memory_space<vmem>>, vector<16xf32>,
    %swap3A_87 = vector.shape_cast %swap3A_86 : vector<16xf32> to vector<16xf32>
    %swap3A_88 = vector.shape_cast %broadcast_in_dim3A_3 : vector<16xf32> to vector<16xf32>
    tpu.vector_store %arg6[%swap3A_85], %swap3A_88 {strides = array<i32>} : memref<640xf32, #tpu.memory_space<vmem>>, vector<16xf32>,
    %swap3A_89 = arith.constant 208 : index
    %swap3A_90 = tpu.vector_load %arg6[%swap3A_89] {strides = array<i32>} : memref<640xf32, #tpu.memory_space<vmem>>, vector<16xf32>,
    %swap3A_91 = vector.shape_cast %swap3A_90 : vector<16xf32> to vector<16xf32>
    %swap3A_92 = vector.shape_cast %broadcast_in_dim3A_3 : vector<16xf32> to vector<16xf32>
    tpu.vector_store %arg6[%swap3A_89], %swap3A_92 {strides = array<i32>} : memref<640xf32, #tpu.memory_space<vmem>>, vector<16xf32>,
    %swap3A_93 = arith.constant 224 : index
    %swap3A_94 = tpu.vector_load %arg6[%swap3A_93] {strides = array<i32>} : memref<640xf32, #tpu.memory_space<vmem>>, vector<16xf32>,
    %swap3A_95 = vector.shape_cast %swap3A_94 : vector<16xf32> to vector<16xf32>
    %swap3A_96 = vector.shape_cast %broadcast_in_dim3A_3 : vector<16xf32> to vector<16xf32>
    tpu.vector_store %arg6[%swap3A_93], %swap3A_96 {strides = array<i32>} : memref<640xf32, #tpu.memory_space<vmem>>, vector<16xf32>,
    %swap3A_97 = arith.constant 240 : index
    %swap3A_98 = tpu.vector_load %arg6[%swap3A_97] {strides = array<i32>} : memref<640xf32, #tpu.memory_space<vmem>>, vector<16xf32>,
    %swap3A_99 = vector.shape_cast %swap3A_98 : vector<16xf32> to vector<16xf32>
    %swap3A_100 = vector.shape_cast %broadcast_in_dim3A_3 : vector<16xf32> to vector<16xf32>
    tpu.vector_store %arg6[%swap3A_97], %swap3A_100 {strides = array<i32>} : memref<640xf32, #tpu.memory_space<vmem>>, vector<16xf32>,
    %swap3A_101 = arith.constant 256 : index
    %swap3A_102 = tpu.vector_load %arg6[%swap3A_101] {strides = array<i32>} : memref<640xf32, #tpu.memory_space<vmem>>, vector<16xf32>,
    %swap3A_103 = vector.shape_cast %swap3A_102 : vector<16xf32> to vector<16xf32>
    %swap3A_104 = vector.shape_cast %broadcast_in_dim3A_3 : vector<16xf32> to vector<16xf32>
    tpu.vector_store %arg6[%swap3A_101], %swap3A_104 {strides = array<i32>} : memref<640xf32, #tpu.memory_space<vmem>>, vector<16xf32>,
    %swap3A_105 = arith.constant 272 : index
    %swap3A_106 = tpu.vector_load %arg6[%swap3A_105] {strides = array<i32>} : memref<640xf32, #tpu.memory_space<vmem>>, vector<16xf32>,
    %swap3A_107 = vector.shape_cast %swap3A_106 : vector<16xf32> to vector<16xf32>
    %swap3A_108 = vector.shape_cast %broadcast_in_dim3A_3 : vector<16xf32> to vector<16xf32>
    tpu.vector_store %arg6[%swap3A_105], %swap3A_108 {strides = array<i32>} : memref<640xf32, #tpu.memory_space<vmem>>, vector<16xf32>,
    %swap3A_109 = arith.constant 288 : index
    %swap3A_110 = tpu.vector_load %arg6[%swap3A_109] {strides = array<i32>} : memref<640xf32, #tpu.memory_space<vmem>>, vector<16xf32>,
    %swap3A_111 = vector.shape_cast %swap3A_110 : vector<16xf32> to vector<16xf32>
    %swap3A_112 = vector.shape_cast %broadcast_in_dim3A_3 : vector<16xf32> to vector<16xf32>
    tpu.vector_store %arg6[%swap3A_109], %swap3A_112 {strides = array<i32>} : memref<640xf32, #tpu.memory_space<vmem>>, vector<16xf32>,
    %swap3A_113 = arith.constant 304 : index
    %swap3A_114 = tpu.vector_load %arg6[%swap3A_113] {strides = array<i32>} : memref<640xf32, #tpu.memory_space<vmem>>, vector<16xf32>,
    %swap3A_115 = vector.shape_cast %swap3A_114 : vector<16xf32> to vector<16xf32>
    %swap3A_116 = vector.shape_cast %broadcast_in_dim3A_3 : vector<16xf32> to vector<16xf32>
    tpu.vector_store %arg6[%swap3A_113], %swap3A_116 {strides = array<i32>} : memref<640xf32, #tpu.memory_space<vmem>>, vector<16xf32>,
    %swap3A_117 = arith.constant 320 : index
    %swap3A_118 = tpu.vector_load %arg6[%swap3A_117] {strides = array<i32>} : memref<640xf32, #tpu.memory_space<vmem>>, vector<16xf32>,
    %swap3A_119 = vector.shape_cast %swap3A_118 : vector<16xf32> to vector<16xf32>
    %swap3A_120 = vector.shape_cast %broadcast_in_dim3A_3 : vector<16xf32> to vector<16xf32>
    tpu.vector_store %arg6[%swap3A_117], %swap3A_120 {strides = array<i32>} : memref<640xf32, #tpu.memory_space<vmem>>, vector<16xf32>,
    %swap3A_121 = arith.constant 336 : index
    %swap3A_122 = tpu.vector_load %arg6[%swap3A_121] {strides = array<i32>} : memref<640xf32, #tpu.memory_space<vmem>>, vector<16xf32>,
    %swap3A_123 = vector.shape_cast %swap3A_122 : vector<16xf32> to vector<16xf32>
    %swap3A_124 = vector.shape_cast %broadcast_in_dim3A_3 : vector<16xf32> to vector<16xf32>
    tpu.vector_store %arg6[%swap3A_121], %swap3A_124 {strides = array<i32>} : memref<640xf32, #tpu.memory_space<vmem>>, vector<16xf32>,
    %swap3A_125 = arith.constant 352 : index
    %swap3A_126 = tpu.vector_load %arg6[%swap3A_125] {strides = array<i32>} : memref<640xf32, #tpu.memory_space<vmem>>, vector<16xf32>,
    %swap3A_127 = vector.shape_cast %swap3A_126 : vector<16xf32> to vector<16xf32>
    %swap3A_128 = vector.shape_cast %broadcast_in_dim3A_3 : vector<16xf32> to vector<16xf32>
    tpu.vector_store %arg6[%swap3A_125], %swap3A_128 {strides = array<i32>} : memref<640xf32, #tpu.memory_space<vmem>>, vector<16xf32>,
    %swap3A_129 = arith.constant 368 : index
    %swap3A_130 = tpu.vector_load %arg6[%swap3A_129] {strides = array<i32>} : memref<640xf32, #tpu.memory_space<vmem>>, vector<16xf32>,
    %swap3A_131 = vector.shape_cast %swap3A_130 : vector<16xf32> to vector<16xf32>
    %swap3A_132 = vector.shape_cast %broadcast_in_dim3A_3 : vector<16xf32> to vector<16xf32>
    tpu.vector_store %arg6[%swap3A_129], %swap3A_132 {strides = array<i32>} : memref<640xf32, #tpu.memory_space<vmem>>, vector<16xf32>,
    %swap3A_133 = arith.constant 384 : index
    %swap3A_134 = tpu.vector_load %arg6[%swap3A_133] {strides = array<i32>} : memref<640xf32, #tpu.memory_space<vmem>>, vector<16xf32>,
    %swap3A_135 = vector.shape_cast %swap3A_134 : vector<16xf32> to vector<16xf32>
    %swap3A_136 = vector.shape_cast %broadcast_in_dim3A_3 : vector<16xf32> to vector<16xf32>
    tpu.vector_store %arg6[%swap3A_133], %swap3A_136 {strides = array<i32>} : memref<640xf32, #tpu.memory_space<vmem>>, vector<16xf32>,
    %swap3A_137 = arith.constant 400 : index
    %swap3A_138 = tpu.vector_load %arg6[%swap3A_137] {strides = array<i32>} : memref<640xf32, #tpu.memory_space<vmem>>, vector<16xf32>,
    %swap3A_139 = vector.shape_cast %swap3A_138 : vector<16xf32> to vector<16xf32>
    %swap3A_140 = vector.shape_cast %broadcast_in_dim3A_3 : vector<16xf32> to vector<16xf32>
    tpu.vector_store %arg6[%swap3A_137], %swap3A_140 {strides = array<i32>} : memref<640xf32, #tpu.memory_space<vmem>>, vector<16xf32>,
    %swap3A_141 = arith.constant 416 : index
    %swap3A_142 = tpu.vector_load %arg6[%swap3A_141] {strides = array<i32>} : memref<640xf32, #tpu.memory_space<vmem>>, vector<16xf32>,
    %swap3A_143 = vector.shape_cast %swap3A_142 : vector<16xf32> to vector<16xf32>
    %swap3A_144 = vector.shape_cast %broadcast_in_dim3A_3 : vector<16xf32> to vector<16xf32>
    tpu.vector_store %arg6[%swap3A_141], %swap3A_144 {strides = array<i32>} : memref<640xf32, #tpu.memory_space<vmem>>, vector<16xf32>,
    %swap3A_145 = arith.constant 432 : index
    %swap3A_146 = tpu.vector_load %arg6[%swap3A_145] {strides = array<i32>} : memref<640xf32, #tpu.memory_space<vmem>>, vector<16xf32>,
    %swap3A_147 = vector.shape_cast %swap3A_146 : vector<16xf32> to vector<16xf32>
    %swap3A_148 = vector.shape_cast %broadcast_in_dim3A_3 : vector<16xf32> to vector<16xf32>
    tpu.vector_store %arg6[%swap3A_145], %swap3A_148 {strides = array<i32>} : memref<640xf32, #tpu.memory_space<vmem>>, vector<16xf32>,
    %swap3A_149 = arith.constant 448 : index
    %swap3A_150 = tpu.vector_load %arg6[%swap3A_149] {strides = array<i32>} : memref<640xf32, #tpu.memory_space<vmem>>, vector<16xf32>,
    %swap3A_151 = vector.shape_cast %swap3A_150 : vector<16xf32> to vector<16xf32>
    %swap3A_152 = vector.shape_cast %broadcast_in_dim3A_3 : vector<16xf32> to vector<16xf32>
    tpu.vector_store %arg6[%swap3A_149], %swap3A_152 {strides = array<i32>} : memref<640xf32, #tpu.memory_space<vmem>>, vector<16xf32>,
    %swap3A_153 = arith.constant 464 : index
    %swap3A_154 = tpu.vector_load %arg6[%swap3A_153] {strides = array<i32>} : memref<640xf32, #tpu.memory_space<vmem>>, vector<16xf32>,
    %swap3A_155 = vector.shape_cast %swap3A_154 : vector<16xf32> to vector<16xf32>
    %swap3A_156 = vector.shape_cast %broadcast_in_dim3A_3 : vector<16xf32> to vector<16xf32>
    tpu.vector_store %arg6[%swap3A_153], %swap3A_156 {strides = array<i32>} : memref<640xf32, #tpu.memory_space<vmem>>, vector<16xf32>,
    %swap3A_157 = arith.constant 480 : index
    %swap3A_158 = tpu.vector_load %arg6[%swap3A_157] {strides = array<i32>} : memref<640xf32, #tpu.memory_space<vmem>>, vector<16xf32>,
    %swap3A_159 = vector.shape_cast %swap3A_158 : vector<16xf32> to vector<16xf32>
    %swap3A_160 = vector.shape_cast %broadcast_in_dim3A_3 : vector<16xf32> to vector<16xf32>
    tpu.vector_store %arg6[%swap3A_157], %swap3A_160 {strides = array<i32>} : memref<640xf32, #tpu.memory_space<vmem>>, vector<16xf32>,
    %swap3A_161 = arith.constant 496 : index
    %swap3A_162 = tpu.vector_load %arg6[%swap3A_161] {strides = array<i32>} : memref<640xf32, #tpu.memory_space<vmem>>, vector<16xf32>,
    %swap3A_163 = vector.shape_cast %swap3A_162 : vector<16xf32> to vector<16xf32>
    %swap3A_164 = vector.shape_cast %broadcast_in_dim3A_3 : vector<16xf32> to vector<16xf32>
    tpu.vector_store %arg6[%swap3A_161], %swap3A_164 {strides = array<i32>} : memref<640xf32, #tpu.memory_space<vmem>>, vector<16xf32>,
    %swap3A_165 = arith.constant 512 : index
    %swap3A_166 = tpu.vector_load %arg6[%swap3A_165] {strides = array<i32>} : memref<640xf32, #tpu.memory_space<vmem>>, vector<16xf32>,
    %swap3A_167 = vector.shape_cast %swap3A_166 : vector<16xf32> to vector<16xf32>
    %swap3A_168 = vector.shape_cast %broadcast_in_dim3A_3 : vector<16xf32> to vector<16xf32>
    tpu.vector_store %arg6[%swap3A_165], %swap3A_168 {strides = array<i32>} : memref<640xf32, #tpu.memory_space<vmem>>, vector<16xf32>,
    %swap3A_169 = arith.constant 528 : index
    %swap3A_170 = tpu.vector_load %arg6[%swap3A_169] {strides = array<i32>} : memref<640xf32, #tpu.memory_space<vmem>>, vector<16xf32>,
    %swap3A_171 = vector.shape_cast %swap3A_170 : vector<16xf32> to vector<16xf32>
    %swap3A_172 = vector.shape_cast %broadcast_in_dim3A_3 : vector<16xf32> to vector<16xf32>
    tpu.vector_store %arg6[%swap3A_169], %swap3A_172 {strides = array<i32>} : memref<640xf32, #tpu.memory_space<vmem>>, vector<16xf32>,
    %swap3A_173 = arith.constant 544 : index
    %swap3A_174 = tpu.vector_load %arg6[%swap3A_173] {strides = array<i32>} : memref<640xf32, #tpu.memory_space<vmem>>, vector<16xf32>,
    %swap3A_175 = vector.shape_cast %swap3A_174 : vector<16xf32> to vector<16xf32>
    %swap3A_176 = vector.shape_cast %broadcast_in_dim3A_3 : vector<16xf32> to vector<16xf32>
    tpu.vector_store %arg6[%swap3A_173], %swap3A_176 {strides = array<i32>} : memref<640xf32, #tpu.memory_space<vmem>>, vector<16xf32>,
    %swap3A_177 = arith.constant 560 : index
    %swap3A_178 = tpu.vector_load %arg6[%swap3A_177] {strides = array<i32>} : memref<640xf32, #tpu.memory_space<vmem>>, vector<16xf32>,
    %swap3A_179 = vector.shape_cast %swap3A_178 : vector<16xf32> to vector<16xf32>
    %swap3A_180 = vector.shape_cast %broadcast_in_dim3A_3 : vector<16xf32> to vector<16xf32>
    tpu.vector_store %arg6[%swap3A_177], %swap3A_180 {strides = array<i32>} : memref<640xf32, #tpu.memory_space<vmem>>, vector<16xf32>,
    %swap3A_181 = arith.constant 576 : index
    %swap3A_182 = tpu.vector_load %arg6[%swap3A_181] {strides = array<i32>} : memref<640xf32, #tpu.memory_space<vmem>>, vector<16xf32>,
    %swap3A_183 = vector.shape_cast %swap3A_182 : vector<16xf32> to vector<16xf32>
    %swap3A_184 = vector.shape_cast %broadcast_in_dim3A_3 : vector<16xf32> to vector<16xf32>
    tpu.vector_store %arg6[%swap3A_181], %swap3A_184 {strides = array<i32>} : memref<640xf32, #tpu.memory_space<vmem>>, vector<16xf32>,
    %swap3A_185 = arith.constant 592 : index
    %swap3A_186 = tpu.vector_load %arg6[%swap3A_185] {strides = array<i32>} : memref<640xf32, #tpu.memory_space<vmem>>, vector<16xf32>,
    %swap3A_187 = vector.shape_cast %swap3A_186 : vector<16xf32> to vector<16xf32>
    %swap3A_188 = vector.shape_cast %broadcast_in_dim3A_3 : vector<16xf32> to vector<16xf32>
    tpu.vector_store %arg6[%swap3A_185], %swap3A_188 {strides = array<i32>} : memref<640xf32, #tpu.memory_space<vmem>>, vector<16xf32>,
    %swap3A_189 = arith.constant 608 : index
    %swap3A_190 = tpu.vector_load %arg6[%swap3A_189] {strides = array<i32>} : memref<640xf32, #tpu.memory_space<vmem>>, vector<16xf32>,
    %swap3A_191 = vector.shape_cast %swap3A_190 : vector<16xf32> to vector<16xf32>
    %swap3A_192 = vector.shape_cast %broadcast_in_dim3A_3 : vector<16xf32> to vector<16xf32>
    tpu.vector_store %arg6[%swap3A_189], %swap3A_192 {strides = array<i32>} : memref<640xf32, #tpu.memory_space<vmem>>, vector<16xf32>,
    %swap3A_193 = arith.constant 624 : index
    %swap3A_194 = tpu.vector_load %arg6[%swap3A_193] {strides = array<i32>} : memref<640xf32, #tpu.memory_space<vmem>>, vector<16xf32>,
    %swap3A_195 = vector.shape_cast %swap3A_194 : vector<16xf32> to vector<16xf32>
    %swap3A_196 = vector.shape_cast %broadcast_in_dim3A_3 : vector<16xf32> to vector<16xf32>
    tpu.vector_store %arg6[%swap3A_193], %swap3A_196 {strides = array<i32>} : memref<640xf32, #tpu.memory_space<vmem>>, vector<16xf32>,
    "tpu.region"() ({
      %run_scoped3A = tpu.sem_alloc : memref<!tpu.dma_semaphore, #tpu.memory_space<semaphore_mem>>
      %dma_start3A = tpu.memref_slice %arg7[%mul3A_2] : memref<10240xf32, #tpu.memory_space<vmem_shared>> -> memref<640xf32, #tpu.memory_space<vmem_shared>>
      %dma_start3A_203 = tpu.memref_slice %arg7[%mul3A_2] : memref<10240xf32, #tpu.memory_space<vmem_shared>> -> memref<640xf32, #tpu.memory_space<vmem_shared>>
      tpu.enqueue_dma source(%arg6 : memref<640xf32, #tpu.memory_space<vmem>>) target(%dma_start3A_203 : memref<640xf32, #tpu.memory_space<vmem_shared>>) target_semaphore(%run_scoped3A : memref<!tpu.dma_semaphore, #tpu.memory_space<semaphore_mem>>)
      %dma_wait3A = tpu.memref_slice %arg7[%mul3A_2] : memref<10240xf32, #tpu.memory_space<vmem_shared>> -> memref<640xf32, #tpu.memory_space<vmem_shared>>
      %dma_wait3A_204 = tpu.memref_slice %arg7[%mul3A_2] : memref<10240xf32, #tpu.memory_space<vmem_shared>> -> memref<640xf32, #tpu.memory_space<vmem_shared>>
      tpu.wait_dma2 semaphore(%run_scoped3A : memref<!tpu.dma_semaphore, #tpu.memory_space<semaphore_mem>>) src(%arg6 : memref<640xf32, #tpu.memory_space<vmem>>) dst(%dma_wait3A_204 : memref<640xf32, #tpu.memory_space<vmem_shared>>)
      tpu.yield
    }) : () -> ()
    %barrier3A = arith.constant 0 : index
    tpu.barrier barrier_id(%barrier3A)
    %scan3A = arith.constant 0 : i32
    %scan3A_197 = arith.constant 0 : i32
    %scan3A_198 = arith.constant 80 : i32
    %scan3A_199 = arith.addi %scan3A_197, %scan3A_198 : i32
    %scan3A_200 = arith.constant 1 : i32
    scf.for %scan3A_203 = %scan3A_197 to %scan3A_199 step %scan3A_200  : i32 {
      "tpu.region"() ({
        %run_scoped3A = tpu.sem_alloc : memref<!tpu.dma_semaphore, #tpu.memory_space<semaphore_mem>>
        %dma_start3A = arith.constant 0 : i32
        %dma_start3A_204 = tpu.memref_slice %arg4[%scan3A_203, %dma_start3A] : memref<80x128xi32, #tpu.memory_space<vmem>> -> memref<1x128xi32, #tpu.memory_space<vmem>>
        %dma_start3A_205 = tpu.memref_squeeze %dma_start3A_204 : memref<1x128xi32, #tpu.memory_space<vmem>> -> memref<128xi32, #tpu.memory_space<vmem>>
        %dma_start3A_206 = arith.constant 0 : i32
        %dma_start3A_207 = tpu.memref_slice %arg7[%dma_start3A_206] : memref<10240xf32, #tpu.memory_space<vmem_shared>> -> memref<10240xf32, #tpu.memory_space<vmem_shared>>
        tpu.enqueue_indirect_dma source(%arg5 : memref<128xf32, #tpu.memory_space<vmem>>) target(%dma_start3A_207 : memref<10240xf32, #tpu.memory_space<vmem_shared>>) offsets(%dma_start3A_205 : memref<128xi32, #tpu.memory_space<vmem>>) semaphore(%run_scoped3A : memref<!tpu.dma_semaphore, #tpu.memory_space<semaphore_mem>>) {add = true}
        %dma_wait3A = arith.constant 0 : i32
        %dma_wait3A_208 = tpu.memref_slice %arg4[%scan3A_203, %dma_wait3A] : memref<80x128xi32, #tpu.memory_space<vmem>> -> memref<1x128xi32, #tpu.memory_space<vmem>>
        %dma_wait3A_209 = tpu.memref_squeeze %dma_wait3A_208 : memref<1x128xi32, #tpu.memory_space<vmem>> -> memref<128xi32, #tpu.memory_space<vmem>>
        %dma_wait3A_210 = arith.constant 0 : i32
        %dma_wait3A_211 = tpu.memref_slice %arg7[%dma_wait3A_210] : memref<10240xf32, #tpu.memory_space<vmem_shared>> -> memref<10240xf32, #tpu.memory_space<vmem_shared>>
        tpu.wait_indirect_dma semaphore(%run_scoped3A : memref<!tpu.dma_semaphore, #tpu.memory_space<semaphore_mem>>) src(%arg5 : memref<128xf32, #tpu.memory_space<vmem>>) dst(%dma_wait3A_211 : memref<10240xf32, #tpu.memory_space<vmem_shared>>)
        tpu.yield
      }) : () -> ()
    }
    %scan3A_201 = arith.constant 80 : i32
    %barrier3A_202 = arith.constant 0 : index
    tpu.barrier barrier_id(%barrier3A_202)
    "tpu.region"() ({
      %run_scoped3A = tpu.sem_alloc : memref<!tpu.dma_semaphore, #tpu.memory_space<semaphore_mem>>
      %dma_start3A = tpu.memref_slice %arg3[%arg0, %mul3A_2] : memref<2x10240xf32, #tpu.memory_space<hbm>> -> memref<1x640xf32, #tpu.memory_space<hbm>>
      %dma_start3A_203 = tpu.memref_squeeze %dma_start3A : memref<1x640xf32, #tpu.memory_space<hbm>> -> memref<640xf32, #tpu.memory_space<hbm>>
      %dma_start3A_204 = tpu.memref_slice %arg7[%mul3A_2] : memref<10240xf32, #tpu.memory_space<vmem_shared>> -> memref<640xf32, #tpu.memory_space<vmem_shared>>
      tpu.enqueue_dma source(%dma_start3A_204 : memref<640xf32, #tpu.memory_space<vmem_shared>>) target(%dma_start3A_203 : memref<640xf32, #tpu.memory_space<hbm>>) target_semaphore(%run_scoped3A : memref<!tpu.dma_semaphore, #tpu.memory_space<semaphore_mem>>)
      %dma_wait3A = tpu.memref_slice %arg3[%arg0, %mul3A_2] : memref<2x10240xf32, #tpu.memory_space<hbm>> -> memref<1x640xf32, #tpu.memory_space<hbm>>
      %dma_wait3A_205 = tpu.memref_squeeze %dma_wait3A : memref<1x640xf32, #tpu.memory_space<hbm>> -> memref<640xf32, #tpu.memory_space<hbm>>
      %dma_wait3A_206 = tpu.memref_slice %arg7[%mul3A_2] : memref<10240xf32, #tpu.memory_space<vmem_shared>> -> memref<640xf32, #tpu.memory_space<vmem_shared>>
      tpu.wait_dma2 semaphore(%run_scoped3A : memref<!tpu.dma_semaphore, #tpu.memory_space<semaphore_mem>>) src(%dma_wait3A_206 : memref<640xf32, #tpu.memory_space<vmem_shared>>) dst(%dma_wait3A_205 : memref<640xf32, #tpu.memory_space<hbm>>)
      tpu.yield
    }) : () -> ()
    return
  }
}

#map = affine_map<(d0, d1) -> (0, 0)>
#map1 = affine_map<(d0, d1) -> (0, 0, 0)>
module attributes {stable_mosaic.version = 14 : i64} {
  func.func @_gs_kernel(%arg0: i32, %arg1: i32, %arg2: memref<10240x128xf32, #tpu.memory_space<hbm>>, %arg3: memref<32x80x128xi32, #tpu.memory_space<hbm>>, %arg4: memref<32x80x128xi32, #tpu.memory_space<hbm>>, %arg5: memref<2x10240x128xf32, #tpu.memory_space<hbm>>, %arg6: memref<80x128xi32, #tpu.memory_space<vmem>>, %arg7: memref<40x128xi32, #tpu.memory_space<vmem>>, %arg8: memref<128x128xf32, #tpu.memory_space<vmem>>, %arg9: memref<128x128xf32, #tpu.memory_space<vmem>>, %arg10: memref<10240x128xf32, #tpu.memory_space<vmem_shared>>, %arg11: memref<!tpu.dma_semaphore, #tpu.memory_space<semaphore_mem>>, %arg12: memref<!tpu.dma_semaphore, #tpu.memory_space<semaphore_mem>>) attributes {dimension_semantics = [#tpu.dimension_semantics<core_parallel>, #tpu.dimension_semantics<subcore_parallel>], iteration_bounds = array<i64: 2, 16>, scalar_prefetch = 0 : i64, scratch_operands = 7 : i64, tpu.core_type = #tpu.core_type<sc_vector_subcore>, window_params = [{transform_indices = #map}, {transform_indices = #map1}, {transform_indices = #map1}, {transform_indices = #map1}]} {
    %mul3A = arith.constant 16 : i32
    %mul3A_0 = arith.muli %arg0, %mul3A : i32
    %add3A = arith.addi %mul3A_0, %arg1 : i32
    %mul3A_1 = arith.constant 640 : i32
    %mul3A_2 = arith.muli %arg1, %mul3A_1 : i32
    "tpu.region"() ({
      %run_scoped3A_34 = tpu.sem_alloc : memref<!tpu.dma_semaphore, #tpu.memory_space<semaphore_mem>>
      %dma_start3A_35 = arith.constant 0 : i32
      %dma_start3A_36 = arith.constant 0 : i32
      %dma_start3A_37 = tpu.memref_slice %arg3[%add3A, %dma_start3A_35, %dma_start3A_36] : memref<32x80x128xi32, #tpu.memory_space<hbm>> -> memref<1x80x128xi32, #tpu.memory_space<hbm>>
      %dma_start3A_38 = tpu.memref_squeeze %dma_start3A_37 : memref<1x80x128xi32, #tpu.memory_space<hbm>> -> memref<80x128xi32, #tpu.memory_space<hbm>>
      %dma_start3A_39 = arith.constant 0 : i32
      %dma_start3A_40 = arith.constant 0 : i32
      %dma_start3A_41 = tpu.memref_slice %arg3[%add3A, %dma_start3A_39, %dma_start3A_40] : memref<32x80x128xi32, #tpu.memory_space<hbm>> -> memref<1x80x128xi32, #tpu.memory_space<hbm>>
      %dma_start3A_42 = tpu.memref_squeeze %dma_start3A_41 : memref<1x80x128xi32, #tpu.memory_space<hbm>> -> memref<80x128xi32, #tpu.memory_space<hbm>>
      tpu.enqueue_dma source(%dma_start3A_42 : memref<80x128xi32, #tpu.memory_space<hbm>>) target(%arg6 : memref<80x128xi32, #tpu.memory_space<vmem>>) target_semaphore(%run_scoped3A_34 : memref<!tpu.dma_semaphore, #tpu.memory_space<semaphore_mem>>)
      %dma_wait3A_43 = arith.constant 0 : i32
      %dma_wait3A_44 = arith.constant 0 : i32
      %dma_wait3A_45 = tpu.memref_slice %arg3[%add3A, %dma_wait3A_43, %dma_wait3A_44] : memref<32x80x128xi32, #tpu.memory_space<hbm>> -> memref<1x80x128xi32, #tpu.memory_space<hbm>>
      %dma_wait3A_46 = tpu.memref_squeeze %dma_wait3A_45 : memref<1x80x128xi32, #tpu.memory_space<hbm>> -> memref<80x128xi32, #tpu.memory_space<hbm>>
      %dma_wait3A_47 = arith.constant 0 : i32
      %dma_wait3A_48 = arith.constant 0 : i32
      %dma_wait3A_49 = tpu.memref_slice %arg3[%add3A, %dma_wait3A_47, %dma_wait3A_48] : memref<32x80x128xi32, #tpu.memory_space<hbm>> -> memref<1x80x128xi32, #tpu.memory_space<hbm>>
      %dma_wait3A_50 = tpu.memref_squeeze %dma_wait3A_49 : memref<1x80x128xi32, #tpu.memory_space<hbm>> -> memref<80x128xi32, #tpu.memory_space<hbm>>
      tpu.wait_dma2 semaphore(%run_scoped3A_34 : memref<!tpu.dma_semaphore, #tpu.memory_space<semaphore_mem>>) src(%dma_wait3A_50 : memref<80x128xi32, #tpu.memory_space<hbm>>) dst(%arg6 : memref<80x128xi32, #tpu.memory_space<vmem>>)
      tpu.yield
    }) : () -> ()
    "tpu.region"() ({
      %run_scoped3A_34 = tpu.sem_alloc : memref<!tpu.dma_semaphore, #tpu.memory_space<semaphore_mem>>
      %dma_start3A_35 = arith.constant 0 : i32
      %dma_start3A_36 = arith.constant 0 : i32
      %dma_start3A_37 = tpu.memref_slice %arg4[%add3A, %dma_start3A_35, %dma_start3A_36] : memref<32x80x128xi32, #tpu.memory_space<hbm>> -> memref<1x40x128xi32, #tpu.memory_space<hbm>>
      %dma_start3A_38 = tpu.memref_squeeze %dma_start3A_37 : memref<1x40x128xi32, #tpu.memory_space<hbm>> -> memref<40x128xi32, #tpu.memory_space<hbm>>
      %dma_start3A_39 = arith.constant 0 : i32
      %dma_start3A_40 = arith.constant 0 : i32
      %dma_start3A_41 = tpu.memref_slice %arg4[%add3A, %dma_start3A_39, %dma_start3A_40] : memref<32x80x128xi32, #tpu.memory_space<hbm>> -> memref<1x40x128xi32, #tpu.memory_space<hbm>>
      %dma_start3A_42 = tpu.memref_squeeze %dma_start3A_41 : memref<1x40x128xi32, #tpu.memory_space<hbm>> -> memref<40x128xi32, #tpu.memory_space<hbm>>
      tpu.enqueue_dma source(%dma_start3A_42 : memref<40x128xi32, #tpu.memory_space<hbm>>) target(%arg7 : memref<40x128xi32, #tpu.memory_space<vmem>>) target_semaphore(%run_scoped3A_34 : memref<!tpu.dma_semaphore, #tpu.memory_space<semaphore_mem>>)
      %dma_wait3A_43 = arith.constant 0 : i32
      %dma_wait3A_44 = arith.constant 0 : i32
      %dma_wait3A_45 = tpu.memref_slice %arg4[%add3A, %dma_wait3A_43, %dma_wait3A_44] : memref<32x80x128xi32, #tpu.memory_space<hbm>> -> memref<1x40x128xi32, #tpu.memory_space<hbm>>
      %dma_wait3A_46 = tpu.memref_squeeze %dma_wait3A_45 : memref<1x40x128xi32, #tpu.memory_space<hbm>> -> memref<40x128xi32, #tpu.memory_space<hbm>>
      %dma_wait3A_47 = arith.constant 0 : i32
      %dma_wait3A_48 = arith.constant 0 : i32
      %dma_wait3A_49 = tpu.memref_slice %arg4[%add3A, %dma_wait3A_47, %dma_wait3A_48] : memref<32x80x128xi32, #tpu.memory_space<hbm>> -> memref<1x40x128xi32, #tpu.memory_space<hbm>>
      %dma_wait3A_50 = tpu.memref_squeeze %dma_wait3A_49 : memref<1x40x128xi32, #tpu.memory_space<hbm>> -> memref<40x128xi32, #tpu.memory_space<hbm>>
      tpu.wait_dma2 semaphore(%run_scoped3A_34 : memref<!tpu.dma_semaphore, #tpu.memory_space<semaphore_mem>>) src(%dma_wait3A_50 : memref<40x128xi32, #tpu.memory_space<hbm>>) dst(%arg7 : memref<40x128xi32, #tpu.memory_space<vmem>>)
      tpu.yield
    }) : () -> ()
    %dma_start3A = arith.constant 0 : i32
    %dma_start3A_3 = arith.constant 0 : i32
    %dma_start3A_4 = tpu.memref_slice %arg6[%dma_start3A, %dma_start3A_3] : memref<80x128xi32, #tpu.memory_space<vmem>> -> memref<1x128xi32, #tpu.memory_space<vmem>>
    %dma_start3A_5 = tpu.memref_squeeze %dma_start3A_4 : memref<1x128xi32, #tpu.memory_space<vmem>> -> memref<128xi32, #tpu.memory_space<vmem>>
    %dma_start3A_6 = arith.constant 0 : i32
    %dma_start3A_7 = arith.constant 0 : i32
    %dma_start3A_8 = tpu.memref_slice %arg2[%dma_start3A_6, %dma_start3A_7] : memref<10240x128xf32, #tpu.memory_space<hbm>> -> memref<10240x128xf32, #tpu.memory_space<hbm>>
    tpu.enqueue_indirect_dma source(%dma_start3A_8 : memref<10240x128xf32, #tpu.memory_space<hbm>>) target(%arg8 : memref<128x128xf32, #tpu.memory_space<vmem>>) offsets(%dma_start3A_5 : memref<128xi32, #tpu.memory_space<vmem>>) semaphore(%arg11 : memref<!tpu.dma_semaphore, #tpu.memory_space<semaphore_mem>>)
    %dma_start3A_9 = arith.constant 1 : i32
    %dma_start3A_10 = arith.constant 0 : i32
    %dma_start3A_11 = tpu.memref_slice %arg6[%dma_start3A_9, %dma_start3A_10] : memref<80x128xi32, #tpu.memory_space<vmem>> -> memref<1x128xi32, #tpu.memory_space<vmem>>
    %dma_start3A_12 = tpu.memref_squeeze %dma_start3A_11 : memref<1x128xi32, #tpu.memory_space<vmem>> -> memref<128xi32, #tpu.memory_space<vmem>>
    %dma_start3A_13 = arith.constant 0 : i32
    %dma_start3A_14 = arith.constant 0 : i32
    %dma_start3A_15 = tpu.memref_slice %arg2[%dma_start3A_13, %dma_start3A_14] : memref<10240x128xf32, #tpu.memory_space<hbm>> -> memref<10240x128xf32, #tpu.memory_space<hbm>>
    tpu.enqueue_indirect_dma source(%dma_start3A_15 : memref<10240x128xf32, #tpu.memory_space<hbm>>) target(%arg9 : memref<128x128xf32, #tpu.memory_space<vmem>>) offsets(%dma_start3A_12 : memref<128xi32, #tpu.memory_space<vmem>>) semaphore(%arg12 : memref<!tpu.dma_semaphore, #tpu.memory_space<semaphore_mem>>)
    "tpu.region"() ({
      %run_scoped3A_34 = tpu.sem_alloc : memref<!tpu.dma_semaphore, #tpu.memory_space<semaphore_mem>>
      %dma_start3A_35 = arith.constant 0 : i32
      %dma_start3A_36 = tpu.memref_slice %arg10[%mul3A_2, %dma_start3A_35] : memref<10240x128xf32, #tpu.memory_space<vmem_shared>> -> memref<640x128xf32, #tpu.memory_space<vmem_shared>>
      %dma_start3A_37 = arith.constant 0 : i32
      %dma_start3A_38 = tpu.memref_slice %arg2[%mul3A_2, %dma_start3A_37] : memref<10240x128xf32, #tpu.memory_space<hbm>> -> memref<640x128xf32, #tpu.memory_space<hbm>>
      tpu.enqueue_dma source(%dma_start3A_38 : memref<640x128xf32, #tpu.memory_space<hbm>>) target(%dma_start3A_36 : memref<640x128xf32, #tpu.memory_space<vmem_shared>>) target_semaphore(%run_scoped3A_34 : memref<!tpu.dma_semaphore, #tpu.memory_space<semaphore_mem>>)
      %dma_wait3A_39 = arith.constant 0 : i32
      %dma_wait3A_40 = tpu.memref_slice %arg10[%mul3A_2, %dma_wait3A_39] : memref<10240x128xf32, #tpu.memory_space<vmem_shared>> -> memref<640x128xf32, #tpu.memory_space<vmem_shared>>
      %dma_wait3A_41 = arith.constant 0 : i32
      %dma_wait3A_42 = tpu.memref_slice %arg2[%mul3A_2, %dma_wait3A_41] : memref<10240x128xf32, #tpu.memory_space<hbm>> -> memref<640x128xf32, #tpu.memory_space<hbm>>
      tpu.wait_dma2 semaphore(%run_scoped3A_34 : memref<!tpu.dma_semaphore, #tpu.memory_space<semaphore_mem>>) src(%dma_wait3A_42 : memref<640x128xf32, #tpu.memory_space<hbm>>) dst(%dma_wait3A_40 : memref<640x128xf32, #tpu.memory_space<vmem_shared>>)
      tpu.yield
    }) : () -> ()
    %barrier3A = arith.constant 0 : index
    tpu.barrier barrier_id(%barrier3A)
    %scan3A = arith.constant 0 : i32
    %scan3A_16 = arith.constant 0 : i32
    %scan3A_17 = arith.constant 39 : i32
    %scan3A_18 = arith.addi %scan3A_16, %scan3A_17 : i32
    %scan3A_19 = arith.constant 1 : i32
    scf.for %scan3A_34 = %scan3A_16 to %scan3A_18 step %scan3A_19  : i32 {
      %eq3A = arith.constant 20 : i32
      %eq3A_35 = arith.cmpi eq, %scan3A_34, %eq3A : i32
      %convert_element_type3A = arith.extui %eq3A_35 : i1 to i32
      %cond3A = arith.constant 0 : i32
      %cond3A_36 = arith.cmpi ne, %convert_element_type3A, %cond3A : i32
      scf.if %cond3A_36 {
        "tpu.region"() ({
          %run_scoped3A_80 = tpu.sem_alloc : memref<!tpu.dma_semaphore, #tpu.memory_space<semaphore_mem>>
          %dma_start3A_81 = arith.constant 40 : i32
          %dma_start3A_82 = arith.constant 0 : i32
          %dma_start3A_83 = tpu.memref_slice %arg4[%add3A, %dma_start3A_81, %dma_start3A_82] : memref<32x80x128xi32, #tpu.memory_space<hbm>> -> memref<1x40x128xi32, #tpu.memory_space<hbm>>
          %dma_start3A_84 = tpu.memref_squeeze %dma_start3A_83 : memref<1x40x128xi32, #tpu.memory_space<hbm>> -> memref<40x128xi32, #tpu.memory_space<hbm>>
          %dma_start3A_85 = arith.constant 40 : i32
          %dma_start3A_86 = arith.constant 0 : i32
          %dma_start3A_87 = tpu.memref_slice %arg4[%add3A, %dma_start3A_85, %dma_start3A_86] : memref<32x80x128xi32, #tpu.memory_space<hbm>> -> memref<1x40x128xi32, #tpu.memory_space<hbm>>
          %dma_start3A_88 = tpu.memref_squeeze %dma_start3A_87 : memref<1x40x128xi32, #tpu.memory_space<hbm>> -> memref<40x128xi32, #tpu.memory_space<hbm>>
          tpu.enqueue_dma source(%dma_start3A_88 : memref<40x128xi32, #tpu.memory_space<hbm>>) target(%arg7 : memref<40x128xi32, #tpu.memory_space<vmem>>) target_semaphore(%run_scoped3A_80 : memref<!tpu.dma_semaphore, #tpu.memory_space<semaphore_mem>>)
          %dma_wait3A_89 = arith.constant 40 : i32
          %dma_wait3A_90 = arith.constant 0 : i32
          %dma_wait3A_91 = tpu.memref_slice %arg4[%add3A, %dma_wait3A_89, %dma_wait3A_90] : memref<32x80x128xi32, #tpu.memory_space<hbm>> -> memref<1x40x128xi32, #tpu.memory_space<hbm>>
          %dma_wait3A_92 = tpu.memref_squeeze %dma_wait3A_91 : memref<1x40x128xi32, #tpu.memory_space<hbm>> -> memref<40x128xi32, #tpu.memory_space<hbm>>
          %dma_wait3A_93 = arith.constant 40 : i32
          %dma_wait3A_94 = arith.constant 0 : i32
          %dma_wait3A_95 = tpu.memref_slice %arg4[%add3A, %dma_wait3A_93, %dma_wait3A_94] : memref<32x80x128xi32, #tpu.memory_space<hbm>> -> memref<1x40x128xi32, #tpu.memory_space<hbm>>
          %dma_wait3A_96 = tpu.memref_squeeze %dma_wait3A_95 : memref<1x40x128xi32, #tpu.memory_space<hbm>> -> memref<40x128xi32, #tpu.memory_space<hbm>>
          tpu.wait_dma2 semaphore(%run_scoped3A_80 : memref<!tpu.dma_semaphore, #tpu.memory_space<semaphore_mem>>) src(%dma_wait3A_96 : memref<40x128xi32, #tpu.memory_space<hbm>>) dst(%arg7 : memref<40x128xi32, #tpu.memory_space<vmem>>)
          tpu.yield
        }) : () -> ()
      } else {
      }
      %mul3A_37 = arith.constant 2 : i32
      %mul3A_38 = arith.muli %mul3A_37, %scan3A_34 : i32
      %add3A_39 = arith.constant 0 : i32
      %add3A_40 = arith.addi %mul3A_38, %add3A_39 : i32
      %ge3A = arith.constant 40 : i32
      %ge3A_41 = arith.cmpi sge, %add3A_40, %ge3A : i32
      %sub3A = arith.constant 40 : i32
      %sub3A_42 = arith.subi %add3A_40, %sub3A : i32
      %select_n3A = arith.select %ge3A_41, %sub3A_42, %add3A_40 : i32
      %dma_wait3A_43 = arith.constant 0 : i32
      %dma_wait3A_44 = arith.constant 0 : i32
      %dma_wait3A_45 = tpu.memref_slice %arg2[%dma_wait3A_43, %dma_wait3A_44] : memref<10240x128xf32, #tpu.memory_space<hbm>> -> memref<128x128xf32, #tpu.memory_space<hbm>>
      %dma_wait3A_46 = arith.constant 0 : i32
      %dma_wait3A_47 = arith.constant 0 : i32
      %dma_wait3A_48 = tpu.memref_slice %arg2[%dma_wait3A_46, %dma_wait3A_47] : memref<10240x128xf32, #tpu.memory_space<hbm>> -> memref<128x128xf32, #tpu.memory_space<hbm>>
      tpu.wait_dma2 semaphore(%arg11 : memref<!tpu.dma_semaphore, #tpu.memory_space<semaphore_mem>>) src(%dma_wait3A_48 : memref<128x128xf32, #tpu.memory_space<hbm>>) dst(%arg8 : memref<128x128xf32, #tpu.memory_space<vmem>>)
      "tpu.region"() ({
        %run_scoped3A_80 = tpu.sem_alloc : memref<!tpu.dma_semaphore, #tpu.memory_space<semaphore_mem>>
        %dma_start3A_81 = arith.constant 0 : i32
        %dma_start3A_82 = tpu.memref_slice %arg7[%select_n3A, %dma_start3A_81] : memref<40x128xi32, #tpu.memory_space<vmem>> -> memref<1x128xi32, #tpu.memory_space<vmem>>
        %dma_start3A_83 = tpu.memref_squeeze %dma_start3A_82 : memref<1x128xi32, #tpu.memory_space<vmem>> -> memref<128xi32, #tpu.memory_space<vmem>>
        %dma_start3A_84 = arith.constant 0 : i32
        %dma_start3A_85 = arith.constant 0 : i32
        %dma_start3A_86 = tpu.memref_slice %arg10[%dma_start3A_84, %dma_start3A_85] : memref<10240x128xf32, #tpu.memory_space<vmem_shared>> -> memref<10240x128xf32, #tpu.memory_space<vmem_shared>>
        tpu.enqueue_indirect_dma source(%arg8 : memref<128x128xf32, #tpu.memory_space<vmem>>) target(%dma_start3A_86 : memref<10240x128xf32, #tpu.memory_space<vmem_shared>>) offsets(%dma_start3A_83 : memref<128xi32, #tpu.memory_space<vmem>>) semaphore(%run_scoped3A_80 : memref<!tpu.dma_semaphore, #tpu.memory_space<semaphore_mem>>) {add = true}
        %dma_wait3A_87 = arith.constant 0 : i32
        %dma_wait3A_88 = tpu.memref_slice %arg7[%select_n3A, %dma_wait3A_87] : memref<40x128xi32, #tpu.memory_space<vmem>> -> memref<1x128xi32, #tpu.memory_space<vmem>>
        %dma_wait3A_89 = tpu.memref_squeeze %dma_wait3A_88 : memref<1x128xi32, #tpu.memory_space<vmem>> -> memref<128xi32, #tpu.memory_space<vmem>>
        %dma_wait3A_90 = arith.constant 0 : i32
        %dma_wait3A_91 = arith.constant 0 : i32
        %dma_wait3A_92 = tpu.memref_slice %arg10[%dma_wait3A_90, %dma_wait3A_91] : memref<10240x128xf32, #tpu.memory_space<vmem_shared>> -> memref<10240x128xf32, #tpu.memory_space<vmem_shared>>
        tpu.wait_indirect_dma semaphore(%run_scoped3A_80 : memref<!tpu.dma_semaphore, #tpu.memory_space<semaphore_mem>>) src(%arg8 : memref<128x128xf32, #tpu.memory_space<vmem>>) dst(%dma_wait3A_92 : memref<10240x128xf32, #tpu.memory_space<vmem_shared>>)
        tpu.yield
      }) : () -> ()
      %add3A_49 = arith.constant 2 : i32
      %add3A_50 = arith.addi %add3A_40, %add3A_49 : i32
      %dma_start3A_51 = arith.constant 0 : i32
      %dma_start3A_52 = tpu.memref_slice %arg6[%add3A_50, %dma_start3A_51] : memref<80x128xi32, #tpu.memory_space<vmem>> -> memref<1x128xi32, #tpu.memory_space<vmem>>
      %dma_start3A_53 = tpu.memref_squeeze %dma_start3A_52 : memref<1x128xi32, #tpu.memory_space<vmem>> -> memref<128xi32, #tpu.memory_space<vmem>>
      %dma_start3A_54 = arith.constant 0 : i32
      %dma_start3A_55 = arith.constant 0 : i32
      %dma_start3A_56 = tpu.memref_slice %arg2[%dma_start3A_54, %dma_start3A_55] : memref<10240x128xf32, #tpu.memory_space<hbm>> -> memref<10240x128xf32, #tpu.memory_space<hbm>>
      tpu.enqueue_indirect_dma source(%dma_start3A_56 : memref<10240x128xf32, #tpu.memory_space<hbm>>) target(%arg8 : memref<128x128xf32, #tpu.memory_space<vmem>>) offsets(%dma_start3A_53 : memref<128xi32, #tpu.memory_space<vmem>>) semaphore(%arg11 : memref<!tpu.dma_semaphore, #tpu.memory_space<semaphore_mem>>)
      %mul3A_57 = arith.constant 2 : i32
      %mul3A_58 = arith.muli %mul3A_57, %scan3A_34 : i32
      %add3A_59 = arith.constant 1 : i32
      %add3A_60 = arith.addi %mul3A_58, %add3A_59 : i32
      %ge3A_61 = arith.constant 40 : i32
      %ge3A_62 = arith.cmpi sge, %add3A_60, %ge3A_61 : i32
      %sub3A_63 = arith.constant 40 : i32
      %sub3A_64 = arith.subi %add3A_60, %sub3A_63 : i32
      %select_n3A_65 = arith.select %ge3A_62, %sub3A_64, %add3A_60 : i32
      %dma_wait3A_66 = arith.constant 0 : i32
      %dma_wait3A_67 = arith.constant 0 : i32
      %dma_wait3A_68 = tpu.memref_slice %arg2[%dma_wait3A_66, %dma_wait3A_67] : memref<10240x128xf32, #tpu.memory_space<hbm>> -> memref<128x128xf32, #tpu.memory_space<hbm>>
      %dma_wait3A_69 = arith.constant 0 : i32
      %dma_wait3A_70 = arith.constant 0 : i32
      %dma_wait3A_71 = tpu.memref_slice %arg2[%dma_wait3A_69, %dma_wait3A_70] : memref<10240x128xf32, #tpu.memory_space<hbm>> -> memref<128x128xf32, #tpu.memory_space<hbm>>
      tpu.wait_dma2 semaphore(%arg12 : memref<!tpu.dma_semaphore, #tpu.memory_space<semaphore_mem>>) src(%dma_wait3A_71 : memref<128x128xf32, #tpu.memory_space<hbm>>) dst(%arg9 : memref<128x128xf32, #tpu.memory_space<vmem>>)
      "tpu.region"() ({
        %run_scoped3A_80 = tpu.sem_alloc : memref<!tpu.dma_semaphore, #tpu.memory_space<semaphore_mem>>
        %dma_start3A_81 = arith.constant 0 : i32
        %dma_start3A_82 = tpu.memref_slice %arg7[%select_n3A_65, %dma_start3A_81] : memref<40x128xi32, #tpu.memory_space<vmem>> -> memref<1x128xi32, #tpu.memory_space<vmem>>
        %dma_start3A_83 = tpu.memref_squeeze %dma_start3A_82 : memref<1x128xi32, #tpu.memory_space<vmem>> -> memref<128xi32, #tpu.memory_space<vmem>>
        %dma_start3A_84 = arith.constant 0 : i32
        %dma_start3A_85 = arith.constant 0 : i32
        %dma_start3A_86 = tpu.memref_slice %arg10[%dma_start3A_84, %dma_start3A_85] : memref<10240x128xf32, #tpu.memory_space<vmem_shared>> -> memref<10240x128xf32, #tpu.memory_space<vmem_shared>>
        tpu.enqueue_indirect_dma source(%arg9 : memref<128x128xf32, #tpu.memory_space<vmem>>) target(%dma_start3A_86 : memref<10240x128xf32, #tpu.memory_space<vmem_shared>>) offsets(%dma_start3A_83 : memref<128xi32, #tpu.memory_space<vmem>>) semaphore(%run_scoped3A_80 : memref<!tpu.dma_semaphore, #tpu.memory_space<semaphore_mem>>) {add = true}
        %dma_wait3A_87 = arith.constant 0 : i32
        %dma_wait3A_88 = tpu.memref_slice %arg7[%select_n3A_65, %dma_wait3A_87] : memref<40x128xi32, #tpu.memory_space<vmem>> -> memref<1x128xi32, #tpu.memory_space<vmem>>
        %dma_wait3A_89 = tpu.memref_squeeze %dma_wait3A_88 : memref<1x128xi32, #tpu.memory_space<vmem>> -> memref<128xi32, #tpu.memory_space<vmem>>
        %dma_wait3A_90 = arith.constant 0 : i32
        %dma_wait3A_91 = arith.constant 0 : i32
        %dma_wait3A_92 = tpu.memref_slice %arg10[%dma_wait3A_90, %dma_wait3A_91] : memref<10240x128xf32, #tpu.memory_space<vmem_shared>> -> memref<10240x128xf32, #tpu.memory_space<vmem_shared>>
        tpu.wait_indirect_dma semaphore(%run_scoped3A_80 : memref<!tpu.dma_semaphore, #tpu.memory_space<semaphore_mem>>) src(%arg9 : memref<128x128xf32, #tpu.memory_space<vmem>>) dst(%dma_wait3A_92 : memref<10240x128xf32, #tpu.memory_space<vmem_shared>>)
        tpu.yield
      }) : () -> ()
      %add3A_72 = arith.constant 2 : i32
      %add3A_73 = arith.addi %add3A_60, %add3A_72 : i32
      %dma_start3A_74 = arith.constant 0 : i32
      %dma_start3A_75 = tpu.memref_slice %arg6[%add3A_73, %dma_start3A_74] : memref<80x128xi32, #tpu.memory_space<vmem>> -> memref<1x128xi32, #tpu.memory_space<vmem>>
      %dma_start3A_76 = tpu.memref_squeeze %dma_start3A_75 : memref<1x128xi32, #tpu.memory_space<vmem>> -> memref<128xi32, #tpu.memory_space<vmem>>
      %dma_start3A_77 = arith.constant 0 : i32
      %dma_start3A_78 = arith.constant 0 : i32
      %dma_start3A_79 = tpu.memref_slice %arg2[%dma_start3A_77, %dma_start3A_78] : memref<10240x128xf32, #tpu.memory_space<hbm>> -> memref<10240x128xf32, #tpu.memory_space<hbm>>
      tpu.enqueue_indirect_dma source(%dma_start3A_79 : memref<10240x128xf32, #tpu.memory_space<hbm>>) target(%arg9 : memref<128x128xf32, #tpu.memory_space<vmem>>) offsets(%dma_start3A_76 : memref<128xi32, #tpu.memory_space<vmem>>) semaphore(%arg12 : memref<!tpu.dma_semaphore, #tpu.memory_space<semaphore_mem>>)
    }
    %scan3A_20 = arith.constant 39 : i32
    %dma_wait3A = arith.constant 0 : i32
    %dma_wait3A_21 = arith.constant 0 : i32
    %dma_wait3A_22 = tpu.memref_slice %arg2[%dma_wait3A, %dma_wait3A_21] : memref<10240x128xf32, #tpu.memory_space<hbm>> -> memref<128x128xf32, #tpu.memory_space<hbm>>
    %dma_wait3A_23 = arith.constant 0 : i32
    %dma_wait3A_24 = arith.constant 0 : i32
    %dma_wait3A_25 = tpu.memref_slice %arg2[%dma_wait3A_23, %dma_wait3A_24] : memref<10240x128xf32, #tpu.memory_space<hbm>> -> memref<128x128xf32, #tpu.memory_space<hbm>>
    tpu.wait_dma2 semaphore(%arg11 : memref<!tpu.dma_semaphore, #tpu.memory_space<semaphore_mem>>) src(%dma_wait3A_25 : memref<128x128xf32, #tpu.memory_space<hbm>>) dst(%arg8 : memref<128x128xf32, #tpu.memory_space<vmem>>)
    %run_scoped3A = arith.constant 38 : i32
    "tpu.region"() ({
      %run_scoped3A_34 = tpu.sem_alloc : memref<!tpu.dma_semaphore, #tpu.memory_space<semaphore_mem>>
      %dma_start3A_35 = arith.constant 0 : i32
      %dma_start3A_36 = tpu.memref_slice %arg7[%run_scoped3A, %dma_start3A_35] : memref<40x128xi32, #tpu.memory_space<vmem>> -> memref<1x128xi32, #tpu.memory_space<vmem>>
      %dma_start3A_37 = tpu.memref_squeeze %dma_start3A_36 : memref<1x128xi32, #tpu.memory_space<vmem>> -> memref<128xi32, #tpu.memory_space<vmem>>
      %dma_start3A_38 = arith.constant 0 : i32
      %dma_start3A_39 = arith.constant 0 : i32
      %dma_start3A_40 = tpu.memref_slice %arg10[%dma_start3A_38, %dma_start3A_39] : memref<10240x128xf32, #tpu.memory_space<vmem_shared>> -> memref<10240x128xf32, #tpu.memory_space<vmem_shared>>
      tpu.enqueue_indirect_dma source(%arg8 : memref<128x128xf32, #tpu.memory_space<vmem>>) target(%dma_start3A_40 : memref<10240x128xf32, #tpu.memory_space<vmem_shared>>) offsets(%dma_start3A_37 : memref<128xi32, #tpu.memory_space<vmem>>) semaphore(%run_scoped3A_34 : memref<!tpu.dma_semaphore, #tpu.memory_space<semaphore_mem>>) {add = true}
      %dma_wait3A_41 = arith.constant 0 : i32
      %dma_wait3A_42 = tpu.memref_slice %arg7[%run_scoped3A, %dma_wait3A_41] : memref<40x128xi32, #tpu.memory_space<vmem>> -> memref<1x128xi32, #tpu.memory_space<vmem>>
      %dma_wait3A_43 = tpu.memref_squeeze %dma_wait3A_42 : memref<1x128xi32, #tpu.memory_space<vmem>> -> memref<128xi32, #tpu.memory_space<vmem>>
      %dma_wait3A_44 = arith.constant 0 : i32
      %dma_wait3A_45 = arith.constant 0 : i32
      %dma_wait3A_46 = tpu.memref_slice %arg10[%dma_wait3A_44, %dma_wait3A_45] : memref<10240x128xf32, #tpu.memory_space<vmem_shared>> -> memref<10240x128xf32, #tpu.memory_space<vmem_shared>>
      tpu.wait_indirect_dma semaphore(%run_scoped3A_34 : memref<!tpu.dma_semaphore, #tpu.memory_space<semaphore_mem>>) src(%arg8 : memref<128x128xf32, #tpu.memory_space<vmem>>) dst(%dma_wait3A_46 : memref<10240x128xf32, #tpu.memory_space<vmem_shared>>)
      tpu.yield
    }) : () -> ()
    %dma_wait3A_26 = arith.constant 0 : i32
    %dma_wait3A_27 = arith.constant 0 : i32
    %dma_wait3A_28 = tpu.memref_slice %arg2[%dma_wait3A_26, %dma_wait3A_27] : memref<10240x128xf32, #tpu.memory_space<hbm>> -> memref<128x128xf32, #tpu.memory_space<hbm>>
    %dma_wait3A_29 = arith.constant 0 : i32
    %dma_wait3A_30 = arith.constant 0 : i32
    %dma_wait3A_31 = tpu.memref_slice %arg2[%dma_wait3A_29, %dma_wait3A_30] : memref<10240x128xf32, #tpu.memory_space<hbm>> -> memref<128x128xf32, #tpu.memory_space<hbm>>
    tpu.wait_dma2 semaphore(%arg12 : memref<!tpu.dma_semaphore, #tpu.memory_space<semaphore_mem>>) src(%dma_wait3A_31 : memref<128x128xf32, #tpu.memory_space<hbm>>) dst(%arg9 : memref<128x128xf32, #tpu.memory_space<vmem>>)
    %run_scoped3A_32 = arith.constant 39 : i32
    "tpu.region"() ({
      %run_scoped3A_34 = tpu.sem_alloc : memref<!tpu.dma_semaphore, #tpu.memory_space<semaphore_mem>>
      %dma_start3A_35 = arith.constant 0 : i32
      %dma_start3A_36 = tpu.memref_slice %arg7[%run_scoped3A_32, %dma_start3A_35] : memref<40x128xi32, #tpu.memory_space<vmem>> -> memref<1x128xi32, #tpu.memory_space<vmem>>
      %dma_start3A_37 = tpu.memref_squeeze %dma_start3A_36 : memref<1x128xi32, #tpu.memory_space<vmem>> -> memref<128xi32, #tpu.memory_space<vmem>>
      %dma_start3A_38 = arith.constant 0 : i32
      %dma_start3A_39 = arith.constant 0 : i32
      %dma_start3A_40 = tpu.memref_slice %arg10[%dma_start3A_38, %dma_start3A_39] : memref<10240x128xf32, #tpu.memory_space<vmem_shared>> -> memref<10240x128xf32, #tpu.memory_space<vmem_shared>>
      tpu.enqueue_indirect_dma source(%arg9 : memref<128x128xf32, #tpu.memory_space<vmem>>) target(%dma_start3A_40 : memref<10240x128xf32, #tpu.memory_space<vmem_shared>>) offsets(%dma_start3A_37 : memref<128xi32, #tpu.memory_space<vmem>>) semaphore(%run_scoped3A_34 : memref<!tpu.dma_semaphore, #tpu.memory_space<semaphore_mem>>) {add = true}
      %dma_wait3A_41 = arith.constant 0 : i32
      %dma_wait3A_42 = tpu.memref_slice %arg7[%run_scoped3A_32, %dma_wait3A_41] : memref<40x128xi32, #tpu.memory_space<vmem>> -> memref<1x128xi32, #tpu.memory_space<vmem>>
      %dma_wait3A_43 = tpu.memref_squeeze %dma_wait3A_42 : memref<1x128xi32, #tpu.memory_space<vmem>> -> memref<128xi32, #tpu.memory_space<vmem>>
      %dma_wait3A_44 = arith.constant 0 : i32
      %dma_wait3A_45 = arith.constant 0 : i32
      %dma_wait3A_46 = tpu.memref_slice %arg10[%dma_wait3A_44, %dma_wait3A_45] : memref<10240x128xf32, #tpu.memory_space<vmem_shared>> -> memref<10240x128xf32, #tpu.memory_space<vmem_shared>>
      tpu.wait_indirect_dma semaphore(%run_scoped3A_34 : memref<!tpu.dma_semaphore, #tpu.memory_space<semaphore_mem>>) src(%arg9 : memref<128x128xf32, #tpu.memory_space<vmem>>) dst(%dma_wait3A_46 : memref<10240x128xf32, #tpu.memory_space<vmem_shared>>)
      tpu.yield
    }) : () -> ()
    %barrier3A_33 = arith.constant 0 : index
    tpu.barrier barrier_id(%barrier3A_33)
    "tpu.region"() ({
      %run_scoped3A_34 = tpu.sem_alloc : memref<!tpu.dma_semaphore, #tpu.memory_space<semaphore_mem>>
      %dma_start3A_35 = arith.constant 0 : i32
      %dma_start3A_36 = tpu.memref_slice %arg5[%arg0, %mul3A_2, %dma_start3A_35] : memref<2x10240x128xf32, #tpu.memory_space<hbm>> -> memref<1x640x128xf32, #tpu.memory_space<hbm>>
      %dma_start3A_37 = tpu.memref_squeeze %dma_start3A_36 : memref<1x640x128xf32, #tpu.memory_space<hbm>> -> memref<640x128xf32, #tpu.memory_space<hbm>>
      %dma_start3A_38 = arith.constant 0 : i32
      %dma_start3A_39 = tpu.memref_slice %arg10[%mul3A_2, %dma_start3A_38] : memref<10240x128xf32, #tpu.memory_space<vmem_shared>> -> memref<640x128xf32, #tpu.memory_space<vmem_shared>>
      tpu.enqueue_dma source(%dma_start3A_39 : memref<640x128xf32, #tpu.memory_space<vmem_shared>>) target(%dma_start3A_37 : memref<640x128xf32, #tpu.memory_space<hbm>>) target_semaphore(%run_scoped3A_34 : memref<!tpu.dma_semaphore, #tpu.memory_space<semaphore_mem>>)
      %dma_wait3A_40 = arith.constant 0 : i32
      %dma_wait3A_41 = tpu.memref_slice %arg5[%arg0, %mul3A_2, %dma_wait3A_40] : memref<2x10240x128xf32, #tpu.memory_space<hbm>> -> memref<1x640x128xf32, #tpu.memory_space<hbm>>
      %dma_wait3A_42 = tpu.memref_squeeze %dma_wait3A_41 : memref<1x640x128xf32, #tpu.memory_space<hbm>> -> memref<640x128xf32, #tpu.memory_space<hbm>>
      %dma_wait3A_43 = arith.constant 0 : i32
      %dma_wait3A_44 = tpu.memref_slice %arg10[%mul3A_2, %dma_wait3A_43] : memref<10240x128xf32, #tpu.memory_space<vmem_shared>> -> memref<640x128xf32, #tpu.memory_space<vmem_shared>>
      tpu.wait_dma2 semaphore(%run_scoped3A_34 : memref<!tpu.dma_semaphore, #tpu.memory_space<semaphore_mem>>) src(%dma_wait3A_44 : memref<640x128xf32, #tpu.memory_space<vmem_shared>>) dst(%dma_wait3A_42 : memref<640x128xf32, #tpu.memory_space<hbm>>)
      tpu.yield
    }) : () -> ()
    return
  }
}

module attributes {stable_mosaic.version = 14 : i64} {
  func.func @_y_body(%arg0: i32, %arg1: memref<1024x128xf32, #tpu.memory_space<vmem>>, %arg2: memref<128x128xf32, #tpu.memory_space<vmem>>, %arg3: memref<2x1024x1xf32, #tpu.memory_space<vmem>>, %arg4: memref<1024x128xf32, #tpu.memory_space<vmem>>) attributes {dimension_semantics = [#tpu.dimension_semantics<arbitrary>], iteration_bounds = array<i64: 10>, scalar_prefetch = 0 : i64, scratch_operands = 0 : i64, tpu.core_type = #tpu.core_type<tc>, window_params = [{transform_indices = @transform_0, window_bounds = array<i64: 1024, 128>}, {pipeline_mode = #tpu.pipeline_mode<synchronous>, transform_indices = @transform_1, window_bounds = array<i64: 128, 128>}, {transform_indices = @transform_2, window_bounds = array<i64: 2, 1024, 1>}, {transform_indices = @transform_3, window_bounds = array<i64: 1024, 128>}]} {
    %get3A = arith.constant 0 : index
    %get3A_0 = arith.constant 0 : index
    %get3A_1 = arith.constant 0 : index
    %get3A_2 = vector.load %arg3[%get3A, %get3A_0, %get3A_1] : memref<2x1024x1xf32, #tpu.memory_space<vmem>>, vector<1x1024x1xf32>
    %get3A_3 = vector.shape_cast %get3A_2 : vector<1x1024x1xf32> to vector<1024x1xf32>
    %get3A_4 = arith.constant 1 : index
    %get3A_5 = arith.constant 0 : index
    %get3A_6 = arith.constant 0 : index
    %get3A_7 = vector.load %arg3[%get3A_4, %get3A_5, %get3A_6] : memref<2x1024x1xf32, #tpu.memory_space<vmem>>, vector<1x1024x1xf32>
    %get3A_8 = vector.shape_cast %get3A_7 : vector<1x1024x1xf32> to vector<1024x1xf32>
    %add3A = arith.addf %get3A_3, %get3A_8 : vector<1024x1xf32>
    %add3A_9 = arith.constant 1.000000e+00 : f32
    %add3A_10 = vector.broadcast %add3A_9 : f32 to vector<1024x1xf32>
    %add3A_11 = arith.addf %add3A, %add3A_10 : vector<1024x1xf32>
    %sqrt3A = math.sqrt %add3A_11 : vector<1024x1xf32>
    %div3A = arith.constant 1.000000e+00 : f32
    %div3A_12 = vector.broadcast %div3A : f32 to vector<1024x1xf32>
    %div3A_13 = arith.divf %div3A_12, %sqrt3A : vector<1024x1xf32>
    %get3A_14 = arith.constant 0 : index
    %get3A_15 = arith.constant 0 : index
    %get3A_16 = vector.load %arg1[%get3A_14, %get3A_15] : memref<1024x128xf32, #tpu.memory_space<vmem>>, vector<1024x128xf32>
    %get3A_17 = arith.constant 0 : index
    %get3A_18 = arith.constant 0 : index
    %get3A_19 = vector.load %arg2[%get3A_17, %get3A_18] : memref<128x128xf32, #tpu.memory_space<vmem>>, vector<128x128xf32>
    %dot_general3A = arith.constant dense<0.000000e+00> : vector<1024x128xf32>
    %dot_general3A_20 = tpu.matmul %get3A_16, %get3A_19, %dot_general3A {dimension_numbers = #tpu.dot_dimension_numbers<[1], [0], [0], [1], [0, 0, 1, 1], [], []>, transpose_lhs_hint = false} : vector<1024x128xf32>, vector<128x128xf32>, vector<1024x128xf32> -> vector<1024x128xf32>
    %mul3A = vector.broadcast %div3A_13 : vector<1024x1xf32> to vector<1024x128xf32>
    %mul3A_21 = arith.mulf %mul3A, %dot_general3A_20 : vector<1024x128xf32>
    %swap3A = arith.constant 0 : index
    %swap3A_22 = arith.constant 0 : index
    %swap3A_23 = vector.load %arg4[%swap3A, %swap3A_22] : memref<1024x128xf32, #tpu.memory_space<vmem>>, vector<1024x128xf32>
    tpu.vector_store %arg4[%swap3A, %swap3A_22], %mul3A_21 {strides = array<i32>} : memref<1024x128xf32, #tpu.memory_space<vmem>>, vector<1024x128xf32>,
    return
  }
  func.func @transform_0(%arg0: i32) -> (i32, i32) {
    %c0_i32 = arith.constant 0 : i32
    %c0_i32_0 = arith.constant 0 : i32
    return %arg0, %c0_i32 : i32, i32
  }
  func.func @transform_1(%arg0: i32) -> (i32, i32) {
    %c0_i32 = arith.constant 0 : i32
    %c0_i32_0 = arith.constant 0 : i32
    %c0_i32_1 = arith.constant 0 : i32
    return %c0_i32, %c0_i32_0 : i32, i32
  }
  func.func @transform_2(%arg0: i32) -> (i32, i32, i32) {
    %c0_i32 = arith.constant 0 : i32
    %c0_i32_0 = arith.constant 0 : i32
    %c0_i32_1 = arith.constant 0 : i32
    return %c0_i32, %arg0, %c0_i32_0 : i32, i32, i32
  }
  func.func @transform_3(%arg0: i32) -> (i32, i32) {
    %c0_i32 = arith.constant 0 : i32
    %c0_i32_0 = arith.constant 0 : i32
    return %arg0, %c0_i32 : i32, i32
  }
}

module attributes {stable_mosaic.version = 14 : i64} {
  func.func @_pool_body(%arg0: i32, %arg1: memref<2x1024x128xf32, #tpu.memory_space<vmem>>, %arg2: memref<1024x128xf32, #tpu.memory_space<vmem>>, %arg3: memref<2x1024x1xf32, #tpu.memory_space<vmem>>, %arg4: memref<1x1024x1xi32, #tpu.memory_space<vmem>>, %arg5: memref<1x128xf32, #tpu.memory_space<vmem>>, %arg6: memref<128x10xf32, #tpu.memory_space<vmem>>, %arg7: memref<1x10xf32, #tpu.memory_space<vmem>>, %arg8: memref<16x10xf32, #tpu.memory_space<vmem>>, %arg9: memref<16x128xf32, #tpu.memory_space<vmem>>, %arg10: memref<17x128xf32, #tpu.memory_space<vmem>>) attributes {dimension_semantics = [#tpu.dimension_semantics<arbitrary>], iteration_bounds = array<i64: 10>, scalar_prefetch = 0 : i64, scratch_operands = 1 : i64, tpu.core_type = #tpu.core_type<tc>, window_params = [{transform_indices = @transform_0, window_bounds = array<i64: 2, 1024, 128>}, {transform_indices = @transform_1, window_bounds = array<i64: 1024, 128>}, {transform_indices = @transform_2, window_bounds = array<i64: 2, 1024, 1>}, {transform_indices = @transform_3, window_bounds = array<i64: 1, 1024, 1>}, {pipeline_mode = #tpu.pipeline_mode<synchronous>, transform_indices = @transform_4, window_bounds = array<i64: 1, 128>}, {pipeline_mode = #tpu.pipeline_mode<synchronous>, transform_indices = @transform_5, window_bounds = array<i64: 128, 10>}, {pipeline_mode = #tpu.pipeline_mode<synchronous>, transform_indices = @transform_6, window_bounds = array<i64: 1, 10>}, {pipeline_mode = #tpu.pipeline_mode<synchronous>, transform_indices = @transform_7, window_bounds = array<i64: 16, 10>}, {pipeline_mode = #tpu.pipeline_mode<synchronous>, transform_indices = @transform_8, window_bounds = array<i64: 16, 128>}]} {
    %eq3A = arith.constant 0 : i32
    %eq3A_0 = arith.cmpi eq, %arg0, %eq3A : i32
    %convert_element_type3A = arith.extui %eq3A_0 : i1 to i32
    %cond3A = arith.constant 0 : i32
    %cond3A_1 = arith.cmpi ne, %convert_element_type3A, %cond3A : i32
    scf.if %cond3A_1 {
      %broadcast_in_dim3A = arith.constant 0xFF800000 : f32
      %broadcast_in_dim3A_70 = vector.broadcast %broadcast_in_dim3A : f32 to vector<17x128xf32>
      %swap3A = arith.constant 0 : index
      %swap3A_71 = arith.constant 0 : index
      %swap3A_72 = vector.load %arg10[%swap3A, %swap3A_71] : memref<17x128xf32, #tpu.memory_space<vmem>>, vector<17x128xf32>
      tpu.vector_store %arg10[%swap3A, %swap3A_71], %broadcast_in_dim3A_70 {strides = array<i32>} : memref<17x128xf32, #tpu.memory_space<vmem>>, vector<17x128xf32>,
    } else {
    }
    %get3A = arith.constant 0 : index
    %get3A_2 = arith.constant 0 : index
    %get3A_3 = arith.constant 0 : index
    %get3A_4 = vector.load %arg3[%get3A, %get3A_2, %get3A_3] : memref<2x1024x1xf32, #tpu.memory_space<vmem>>, vector<1x1024x1xf32>
    %get3A_5 = vector.shape_cast %get3A_4 : vector<1x1024x1xf32> to vector<1024x1xf32>
    %get3A_6 = arith.constant 1 : index
    %get3A_7 = arith.constant 0 : index
    %get3A_8 = arith.constant 0 : index
    %get3A_9 = vector.load %arg3[%get3A_6, %get3A_7, %get3A_8] : memref<2x1024x1xf32, #tpu.memory_space<vmem>>, vector<1x1024x1xf32>
    %get3A_10 = vector.shape_cast %get3A_9 : vector<1x1024x1xf32> to vector<1024x1xf32>
    %add3A = arith.addf %get3A_5, %get3A_10 : vector<1024x1xf32>
    %add3A_11 = arith.constant 1.000000e+00 : f32
    %add3A_12 = vector.broadcast %add3A_11 : f32 to vector<1024x1xf32>
    %add3A_13 = arith.addf %add3A, %add3A_12 : vector<1024x1xf32>
    %sqrt3A = math.sqrt %add3A_13 : vector<1024x1xf32>
    %div3A = arith.constant 1.000000e+00 : f32
    %div3A_14 = vector.broadcast %div3A : f32 to vector<1024x1xf32>
    %div3A_15 = arith.divf %div3A_14, %sqrt3A : vector<1024x1xf32>
    %get3A_16 = arith.constant 0 : index
    %get3A_17 = arith.constant 0 : index
    %get3A_18 = arith.constant 0 : index
    %get3A_19 = vector.load %arg1[%get3A_16, %get3A_17, %get3A_18] : memref<2x1024x128xf32, #tpu.memory_space<vmem>>, vector<1x1024x128xf32>
    %get3A_20 = vector.shape_cast %get3A_19 : vector<1x1024x128xf32> to vector<1024x128xf32>
    %get3A_21 = arith.constant 1 : index
    %get3A_22 = arith.constant 0 : index
    %get3A_23 = arith.constant 0 : index
    %get3A_24 = vector.load %arg1[%get3A_21, %get3A_22, %get3A_23] : memref<2x1024x128xf32, #tpu.memory_space<vmem>>, vector<1x1024x128xf32>
    %get3A_25 = vector.shape_cast %get3A_24 : vector<1x1024x128xf32> to vector<1024x128xf32>
    %add3A_26 = arith.addf %get3A_20, %get3A_25 : vector<1024x128xf32>
    %get3A_27 = arith.constant 0 : index
    %get3A_28 = arith.constant 0 : index
    %get3A_29 = vector.load %arg2[%get3A_27, %get3A_28] : memref<1024x128xf32, #tpu.memory_space<vmem>>, vector<1024x128xf32>
    %sub3A = arith.subf %add3A_26, %get3A_29 : vector<1024x128xf32>
    %mul3A = vector.broadcast %div3A_15 : vector<1024x1xf32> to vector<1024x128xf32>
    %mul3A_30 = arith.mulf %mul3A, %sub3A : vector<1024x128xf32>
    %get3A_31 = arith.constant 0 : index
    %get3A_32 = arith.constant 0 : index
    %get3A_33 = vector.load %arg5[%get3A_31, %get3A_32] : memref<1x128xf32, #tpu.memory_space<vmem>>, vector<1x128xf32>
    %add3A_34 = vector.broadcast %get3A_33 : vector<1x128xf32> to vector<1024x128xf32>
    %add3A_35 = arith.addf %mul3A_30, %add3A_34 : vector<1024x128xf32>
    %gt3A = arith.constant 0.000000e+00 : f32
    %gt3A_36 = vector.broadcast %gt3A : f32 to vector<1024x128xf32>
    %gt3A_37 = arith.cmpf ogt, %add3A_35, %gt3A_36 : vector<1024x128xf32>
    %mul3A_38 = arith.constant 0.00999999977 : f32
    %mul3A_39 = vector.broadcast %mul3A_38 : f32 to vector<1024x128xf32>
    %mul3A_40 = arith.mulf %mul3A_39, %add3A_35 : vector<1024x128xf32>
    %select_n3A = arith.select %gt3A_37, %add3A_35, %mul3A_40 : vector<1024x128xi1>, vector<1024x128xf32>
    %get3A_41 = arith.constant 0 : index
    %get3A_42 = arith.constant 0 : index
    %get3A_43 = arith.constant 0 : index
    %get3A_44 = vector.load %arg4[%get3A_41, %get3A_42, %get3A_43] : memref<1x1024x1xi32, #tpu.memory_space<vmem>>, vector<1x1024x1xi32>
    %get3A_45 = vector.shape_cast %get3A_44 : vector<1x1024x1xi32> to vector<1024x1xi32>
    %reduce_min3A = vector.shape_cast %get3A_45 : vector<1024x1xi32> to vector<1x1024x1xi32>
    %reduce_min3A_46 = arith.constant dense<2147483647> : vector<1xi32>
    %reduce_min3A_47 = vector.multi_reduction <minsi>, %reduce_min3A, %reduce_min3A_46 [1, 2] : vector<1x1024x1xi32> to vector<1xi32>
    %reduce_min3A_48 = vector.shape_cast %reduce_min3A_47 : vector<1xi32> to vector<1x1x1xi32>
    %reduce_min3A_49 = vector.extract %reduce_min3A_48[0, 0, 0] : i32 from vector<1x1x1xi32>
    %reduce_max3A = vector.shape_cast %get3A_45 : vector<1024x1xi32> to vector<1x1024x1xi32>
    %reduce_max3A_50 = arith.constant dense<-2147483648> : vector<1xi32>
    %reduce_max3A_51 = vector.multi_reduction <maxsi>, %reduce_max3A, %reduce_max3A_50 [1, 2] : vector<1x1024x1xi32> to vector<1xi32>
    %reduce_max3A_52 = vector.shape_cast %reduce_max3A_51 : vector<1xi32> to vector<1x1x1xi32>
    %reduce_max3A_53 = vector.extract %reduce_max3A_52[0, 0, 0] : i32 from vector<1x1x1xi32>
    %add3A_54 = arith.constant 1 : i32
    %add3A_55 = arith.addi %reduce_max3A_53, %add3A_54 : i32
    %while3A = arith.constant 0 : i32
    %while3A_56 = arith.constant 0xFF800000 : f32
    %while3A_57 = arith.subi %add3A_55, %reduce_min3A_49 : i32
    %while3A_58 = arith.addi %reduce_min3A_49, %while3A_57 : i32
    %while3A_59 = arith.constant 1 : i32
    %while3A_60 = arith.divsi %while3A_57, %while3A_59 : i32
    %while3A_61 = arith.muli %while3A_60, %while3A_59 : i32
    %while3A_62 = arith.addi %reduce_min3A_49, %while3A_61 : i32
    %while3A_63 = arith.constant 1 : i32
    scf.for %while3A_70 = %reduce_min3A_49 to %while3A_62 step %while3A_63  : i32 {
      %eq3A_71 = vector.broadcast %while3A_70 : i32 to vector<1024x1xi32>
      %eq3A_72 = arith.cmpi eq, %get3A_45, %eq3A_71 : vector<1024x1xi32>
      %broadcast_in_dim3A = vector.shape_cast %eq3A_72 : vector<1024x1xi1> to vector<1024x1xi1>
      %broadcast_in_dim3A_73 = vector.broadcast %broadcast_in_dim3A : vector<1024x1xi1> to vector<1024x128xi1>
      %broadcast_in_dim3A_74 = vector.broadcast %while3A_56 : f32 to vector<1024x128xf32>
      %select_n3A_75 = arith.select %broadcast_in_dim3A_73, %select_n3A, %broadcast_in_dim3A_74 : vector<1024x128xi1>, vector<1024x128xf32>
      %reduce_max3A_76 = arith.constant dense<0xFF800000> : vector<128xf32>
      %reduce_max3A_77 = vector.multi_reduction <maximumf>, %select_n3A_75, %reduce_max3A_76 [0] : vector<1024x128xf32> to vector<128xf32>
      %broadcast_in_dim3A_78 = vector.shape_cast %reduce_max3A_77 : vector<128xf32> to vector<1x128xf32>
      %get3A_79 = arith.index_cast %while3A_70 : i32 to index
      %get3A_80 = arith.constant 0 : index
      %get3A_81 = vector.load %arg10[%get3A_79, %get3A_80] : memref<17x128xf32, #tpu.memory_space<vmem>>, vector<1x128xf32>
      %max3A = arith.maximumf %get3A_81, %broadcast_in_dim3A_78 : vector<1x128xf32>
      %swap3A = arith.index_cast %while3A_70 : i32 to index
      %swap3A_82 = arith.constant 0 : index
      %swap3A_83 = vector.load %arg10[%swap3A, %swap3A_82] : memref<17x128xf32, #tpu.memory_space<vmem>>, vector<1x128xf32>
      tpu.vector_store %arg10[%swap3A, %swap3A_82], %max3A {strides = array<i32>} : memref<17x128xf32, #tpu.memory_space<vmem>>, vector<1x128xf32>,
    }
    %while3A_64 = arith.constant 1 : i32
    scf.for %while3A_70 = %while3A_62 to %while3A_58 step %while3A_64  : i32 {
      %eq3A_71 = vector.broadcast %while3A_70 : i32 to vector<1024x1xi32>
      %eq3A_72 = arith.cmpi eq, %get3A_45, %eq3A_71 : vector<1024x1xi32>
      %broadcast_in_dim3A = vector.shape_cast %eq3A_72 : vector<1024x1xi1> to vector<1024x1xi1>
      %broadcast_in_dim3A_73 = vector.broadcast %broadcast_in_dim3A : vector<1024x1xi1> to vector<1024x128xi1>
      %broadcast_in_dim3A_74 = vector.broadcast %while3A_56 : f32 to vector<1024x128xf32>
      %select_n3A_75 = arith.select %broadcast_in_dim3A_73, %select_n3A, %broadcast_in_dim3A_74 : vector<1024x128xi1>, vector<1024x128xf32>
      %reduce_max3A_76 = arith.constant dense<0xFF800000> : vector<128xf32>
      %reduce_max3A_77 = vector.multi_reduction <maximumf>, %select_n3A_75, %reduce_max3A_76 [0] : vector<1024x128xf32> to vector<128xf32>
      %broadcast_in_dim3A_78 = vector.shape_cast %reduce_max3A_77 : vector<128xf32> to vector<1x128xf32>
      %get3A_79 = arith.index_cast %while3A_70 : i32 to index
      %get3A_80 = arith.constant 0 : index
      %get3A_81 = vector.load %arg10[%get3A_79, %get3A_80] : memref<17x128xf32, #tpu.memory_space<vmem>>, vector<1x128xf32>
      %max3A = arith.maximumf %get3A_81, %broadcast_in_dim3A_78 : vector<1x128xf32>
      %swap3A = arith.index_cast %while3A_70 : i32 to index
      %swap3A_82 = arith.constant 0 : index
      %swap3A_83 = vector.load %arg10[%swap3A, %swap3A_82] : memref<17x128xf32, #tpu.memory_space<vmem>>, vector<1x128xf32>
      tpu.vector_store %arg10[%swap3A, %swap3A_82], %max3A {strides = array<i32>} : memref<17x128xf32, #tpu.memory_space<vmem>>, vector<1x128xf32>,
    }
    %eq3A_65 = arith.constant 9 : i32
    %eq3A_66 = arith.cmpi eq, %arg0, %eq3A_65 : i32
    %convert_element_type3A_67 = arith.extui %eq3A_66 : i1 to i32
    %cond3A_68 = arith.constant 0 : i32
    %cond3A_69 = arith.cmpi ne, %convert_element_type3A_67, %cond3A_68 : i32
    scf.if %cond3A_69 {
      %get3A_70 = arith.constant 0 : index
      %get3A_71 = arith.constant 0 : index
      %get3A_72 = vector.load %arg10[%get3A_70, %get3A_71] : memref<17x128xf32, #tpu.memory_space<vmem>>, vector<16x128xf32>
      %swap3A = arith.constant 0 : index
      %swap3A_73 = arith.constant 0 : index
      %swap3A_74 = vector.load %arg9[%swap3A, %swap3A_73] : memref<16x128xf32, #tpu.memory_space<vmem>>, vector<16x128xf32>
      tpu.vector_store %arg9[%swap3A, %swap3A_73], %get3A_72 {strides = array<i32>} : memref<16x128xf32, #tpu.memory_space<vmem>>, vector<16x128xf32>,
      %get3A_75 = arith.constant 0 : index
      %get3A_76 = arith.constant 0 : index
      %get3A_77 = vector.load %arg6[%get3A_75, %get3A_76] : memref<128x10xf32, #tpu.memory_space<vmem>>, vector<128x10xf32>
      %dot_general3A = arith.constant dense<0.000000e+00> : vector<16x10xf32>
      %dot_general3A_78 = tpu.matmul %get3A_72, %get3A_77, %dot_general3A {dimension_numbers = #tpu.dot_dimension_numbers<[1], [0], [0], [1], [0, 0, 1, 1], [], []>, transpose_lhs_hint = false} : vector<16x128xf32>, vector<128x10xf32>, vector<16x10xf32> -> vector<16x10xf32>
      %get3A_79 = arith.constant 0 : index
      %get3A_80 = arith.constant 0 : index
      %get3A_81 = vector.load %arg7[%get3A_79, %get3A_80] : memref<1x10xf32, #tpu.memory_space<vmem>>, vector<1x10xf32>
      %add3A_82 = vector.broadcast %get3A_81 : vector<1x10xf32> to vector<16x10xf32>
      %add3A_83 = arith.addf %dot_general3A_78, %add3A_82 : vector<16x10xf32>
      %swap3A_84 = arith.constant 0 : index
      %swap3A_85 = arith.constant 0 : index
      %swap3A_86 = vector.load %arg8[%swap3A_84, %swap3A_85] : memref<16x10xf32, #tpu.memory_space<vmem>>, vector<16x10xf32>
      tpu.vector_store %arg8[%swap3A_84, %swap3A_85], %add3A_83 {strides = array<i32>} : memref<16x10xf32, #tpu.memory_space<vmem>>, vector<16x10xf32>,
    } else {
    }
    return
  }
  func.func @transform_0(%arg0: i32) -> (i32, i32, i32) {
    %c0_i32 = arith.constant 0 : i32
    %c0_i32_0 = arith.constant 0 : i32
    %c0_i32_1 = arith.constant 0 : i32
    return %c0_i32, %arg0, %c0_i32_0 : i32, i32, i32
  }
  func.func @transform_1(%arg0: i32) -> (i32, i32) {
    %c0_i32 = arith.constant 0 : i32
    %c0_i32_0 = arith.constant 0 : i32
    return %arg0, %c0_i32 : i32, i32
  }
  func.func @transform_2(%arg0: i32) -> (i32, i32, i32) {
    %c0_i32 = arith.constant 0 : i32
    %c0_i32_0 = arith.constant 0 : i32
    %c0_i32_1 = arith.constant 0 : i32
    return %c0_i32, %arg0, %c0_i32_0 : i32, i32, i32
  }
  func.func @transform_3(%arg0: i32) -> (i32, i32, i32) {
    %c0_i32 = arith.constant 0 : i32
    %c0_i32_0 = arith.constant 0 : i32
    %c0_i32_1 = arith.constant 0 : i32
    return %arg0, %c0_i32, %c0_i32_0 : i32, i32, i32
  }
  func.func @transform_4(%arg0: i32) -> (i32, i32) {
    %c0_i32 = arith.constant 0 : i32
    %c0_i32_0 = arith.constant 0 : i32
    %c0_i32_1 = arith.constant 0 : i32
    return %c0_i32, %c0_i32_0 : i32, i32
  }
  func.func @transform_5(%arg0: i32) -> (i32, i32) {
    %c0_i32 = arith.constant 0 : i32
    %c0_i32_0 = arith.constant 0 : i32
    %c0_i32_1 = arith.constant 0 : i32
    return %c0_i32, %c0_i32_0 : i32, i32
  }
  func.func @transform_6(%arg0: i32) -> (i32, i32) {
    %c0_i32 = arith.constant 0 : i32
    %c0_i32_0 = arith.constant 0 : i32
    %c0_i32_1 = arith.constant 0 : i32
    return %c0_i32, %c0_i32_0 : i32, i32
  }
  func.func @transform_7(%arg0: i32) -> (i32, i32) {
    %c0_i32 = arith.constant 0 : i32
    %c0_i32_0 = arith.constant 0 : i32
    %c0_i32_1 = arith.constant 0 : i32
    return %c0_i32, %c0_i32_0 : i32, i32
  }
  func.func @transform_8(%arg0: i32) -> (i32, i32) {
    %c0_i32 = arith.constant 0 : i32
    %c0_i32_0 = arith.constant 0 : i32
    %c0_i32_1 = arith.constant 0 : i32
    return %c0_i32, %c0_i32_0 : i32, i32
  }
}

</mosaic_0001>

<sc_bundles>
// kernel: kernel.6.cloned.1.call-start
scs
__scs_entry_jumppad:
0x0: {  	(pc) =	sbr.rel $0x88, $3  }
0x1: {  	(tag) =	ssettag $0x0;
	lr =	simm.s32 $0x1  }
0x2: {  	[smem:$0x3F9A] =	sst lr;
	_ =	strace $0xD0000000  }
0x3: {  	_ = 	snop  }
0x4: {  	_ = 	snop  }
0x5: {  	_ = 	snop  }
0x6: {  	_ = 	snop  }
0x7: {  	_ = 	snop  }
__scs_overlays_trampoline_lowered:
0x8: {  	[smem:$0x3FA9] =	sst s0  }
0x9: {  	[smem:$0x3FAA] =	sst s1  }
0xa: {  	[smem:$0x3FAB] =	sst s2  }
0xb: {  	[smem:$0x3FAC] =	sst s3  }
0xc: {  	[smem:$0x3FAD] =	sst s4  }
0xd: {  	[smem:$0x3FAE] =	sst s5  }
0xe: {  	[smem:$0x3FAF] =	sst s6  }
0xf: {  	[smem:$0x3FB0] =	sst s7  }
0x10: {  	[smem:$0x3FB1] =	sst s8  }
0x11: {  	[smem:$0x3FB2] =	sst s9;
	s0 =	simm.s32 @!p0 $0x0  }
0x12: {  	s1 =	sld [smem:$0x3F98];
	s0 =	simm.s32 @p0 $0x1  }
0x13: {  	[smem:$0x3FB3] =	sst s0;
	s0 =	simm.s32 @!p1 $0x0  }
0x14: {  	s2 =	sld [smem:$0x3F97];
	s0 =	simm.s32 @p1 $0x1  }
0x15: {  	[smem:$0x3FB4] =	sst s0;
	s0 =	simm.s32 @!p2 $0x0  }
0x16: {  	s3 =	sld [smem:$0x3FDB];
	s0 =	simm.s32 @p2 $0x1  }
0x17: {  	s4 =	simm.s32 $0x1BF5;
	[smem:$0x3FB6] =	sst s0  }
0x18: {  	s0 =	sld [smem:$0x3F99];
	_ =	swait.ge [sflag:s4], $0x0  }
0x19: {  	s7 =	sld [smem:$0x3F9A]  }
0x1a: {  	s8 =	sadd.s32 $0xFFFFE003, lr  }
0x1b: {  	s9 =	sadd.s32 $0xFFFFFEF7, lr;
	s5 =	simm.s32 $0xFFFFFFFF;
	p2 =	slt.u32 s8, $0xFFFFF086  }
0x1c: {  	p1 =	slt.u32 s9, $0xF7A;
	s5 =	simm.s32 @!p2 $0x0  }
0x1d: {  	s5 =	simm.s32 @p1 $0x1;
	p0 =	seq.s32 s7, s2  }
0x1e: {  	s7 =	smul.u32 @!p0 $0xF7A, s2;
	p2 =	seq.s32 @!p0 s5, $0x0  }
0x1f: {  	s9 =	smul.u32 $0xF7A, s1;
	s8 =	simm.s32 @!p0 $0x1BF5;
	p2 =	por !p2, p0  }
0x20: {  	[sflag:s8] =	ssyncset.s32 @!p0 $0xFFFFF086;
	s6 =	sadd.s32 @!p0 s3, s7;
	s7 =	simm.s32 @!p0 $0x108  }
0x21: {  	s3 =	sadd.s32 s3, s9;
	s6 =	sadd.s32 @!p0 $0x88, s6;
	s7 =	simm.s32 @p2 $0x1082  }
0x22: {  	[simem:s7], [sflag:s8] =	dma.local @!p0 [hbm:s6], $0xF7A  }
0x23: {  	s9 =	sor.u32 $0xD0000000, s2;
	s6 =	simm.s32 $0x108;
	_ =	swait.ge @!p0 [sflag:s8], $0x0  }
0x24: {  	s3 =	sadd.s32 $0x88, s3;
	s6 =	simm.s32 @!p1 $0x1082;
	[sflag:s4] =	ssyncset.s32 $0xFFFFF086  }
0x25: {  	[simem:s6], [sflag:s4] =	dma.local [hbm:s3], $0xF7A  }
0x26: {  	[smem:$0x3F9A] =	sst s1;
	(tag) =	ssettag s2;
	_ =	strace s9  }
0x27: {  	s1 =	sld [smem:$0x3FAA]  }
0x28: {  	s2 =	sld [smem:$0x3FAB]  }
0x29: {  	s4 =	sld [smem:$0x3FAD]  }
0x2a: {  	p0 =	seq.s32 s5, $0x0;
	s5 =	sld [smem:$0x3FAE]  }
0x2b: {  	s6 =	sld [smem:$0x3FAF]  }
0x2c: {  	s7 =	sld [smem:$0x3FB0]  }
0x2d: {  	s3 =	simm.s32 $0x108;
	s8 =	sld [smem:$0x3FB1]  }
0x2e: {  	s3 =	simm.s32 @!p0 $0x1082;
	s9 =	sld [smem:$0x3FB2]  }
0x2f: {  	lr =	sadd.s32 s0, s3;
	s0 =	sld [smem:$0x3FA9]  }
0x30: {  	s3 =	sld [smem:$0x3FAC]  }
0x31: {  	[smem:$0x3FB5] =	sst s10  }
0x32: {  	s10 =	sld [smem:$0x3FB3];
	_ =	sdelay $0x3  }
0x33: {  	p0 =	seq.s32 s10, $0x1;
	s10 =	sld [smem:$0x3FB5];
	_ =	sdelay $0x3  }
0x34: {  	[smem:$0x3FB5] =	sst s10  }
0x35: {  	s10 =	sld [smem:$0x3FB4];
	_ =	sdelay $0x3  }
0x36: {  	p1 =	seq.s32 s10, $0x1;
	s10 =	sld [smem:$0x3FB5];
	_ =	sdelay $0x3  }
0x37: {  	[smem:$0x3FB5] =	sst s10  }
0x38: {  	s10 =	sld [smem:$0x3FB6]  }
0x39: {  	_ = 	snop;
	(pc) =	sbr.ind lr, $3  }
0x3a: {  	_ = 	snop  }
0x3b: {  	_ = 	snop  }
0x3c: {  	p2 =	seq.s32 s10, $0x1;
	s10 =	sld [smem:$0x3FB5]  }
0x3d: {  	_ =	shalt  }
0x3e: {  	_ =	shalt  }
0x3f: {  	_ =	shalt  }
0x40: {  	_ =	shalt  }
0x41: {  	_ =	shalt  }
0x42: {  	_ =	shalt  }
0x43: {  	_ =	shalt  }
0x44: {  	_ =	shalt  }
0x45: {  	_ =	shalt  }
0x46: {  	_ =	shalt  }
0x47: {  	_ =	shalt  }
0x48: {  	_ =	shalt  }
0x49: {  	_ =	shalt  }
0x4a: {  	_ =	shalt  }
0x4b: {  	_ =	shalt  }
0x4c: {  	_ =	shalt  }
0x4d: {  	_ =	shalt  }
0x4e: {  	_ =	shalt  }
0x4f: {  	_ =	shalt  }
0x50: {  	_ =	shalt  }
0x51: {  	_ =	shalt  }
0x52: {  	_ =	shalt  }
0x53: {  	_ =	shalt  }
0x54: {  	_ =	shalt  }
0x55: {  	_ =	shalt  }
0x56: {  	_ =	shalt  }
0x57: {  	_ =	shalt  }
0x58: {  	_ =	shalt  }
0x59: {  	_ =	shalt  }
0x5a: {  	_ =	shalt  }
0x5b: {  	_ =	shalt  }
0x5c: {  	_ =	shalt  }
0x5d: {  	_ =	shalt  }
0x5e: {  	_ =	shalt  }
0x5f: {  	_ =	shalt  }
0x60: {  	_ =	shalt  }
0x61: {  	_ =	shalt  }
0x62: {  	_ =	shalt  }
0x63: {  	_ =	shalt  }
0x64: {  	_ =	shalt  }
0x65: {  	_ =	shalt  }
0x66: {  	_ =	shalt  }
0x67: {  	_ =	shalt  }
0x68: {  	_ =	shalt  }
0x69: {  	_ =	shalt  }
0x6a: {  	_ =	shalt  }
0x6b: {  	_ =	shalt  }
0x6c: {  	_ =	shalt  }
0x6d: {  	_ =	shalt  }
0x6e: {  	_ =	shalt  }
0x6f: {  	_ =	shalt  }
0x70: {  	_ =	shalt  }
0x71: {  	_ =	shalt  }
0x72: {  	_ =	shalt  }
0x73: {  	_ =	shalt  }
0x74: {  	_ =	shalt  }
0x75: {  	_ =	shalt  }
0x76: {  	_ =	shalt  }
0x77: {  	_ =	shalt  }
0x78: {  	_ =	shalt  }
0x79: {  	_ =	shalt  }
0x7a: {  	_ =	shalt  }
0x7b: {  	_ =	shalt  }
0x7c: {  	_ =	shalt  }
0x7d: {  	_ =	shalt  }
0x7e: {  	_ =	shalt  }
0x7f: {  	_ =	shalt  }
0x80: {  	_ =	shalt  }
0x81: {  	_ =	shalt  }
0x82: {  	_ =	shalt  }
0x83: {  	_ =	shalt  }
0x84: {  	_ =	shalt  }
0x85: {  	_ =	shalt  }
0x86: {  	_ =	shalt  }
0x87: {  	_ =	shalt  }
.Lfunc_end0:
.L_simem_size_0:
called_computation_lowered:
.L_overlay_start_0:
0x88: {  	s2 =	sld [smem:$0x3FD9]  }
0x89: {  	s3 =	sld [smem:$0x3FFE];
	_ =	sdelay $0x1  }
0x8a: {  	s1 =	srdreg.scid  }
0x8b: {  	s0 =	sand.u32 $0x1, s1  }
0x8c: {  	s16 =	sshll.u32 s0, $0xA;
	s2 =	sadd.s32 s3, s2  }
0x8d: {  	s2 =	sadd.s32 s2, s16  }
0x8e: {  	[smem:$0x3FC1] =	sst s2  }
0x8f: {  	_ = 	snop  }
0x90: {  	(tm) =	ssettm $0x1  }
0x91: {  	s17 =	sld [smem:$0x3FFB];
	_ =	sdelay $0x3  }
0x92: {  	_ =	strace s17  }
0x93: {  	s2 =	sld [smem:$0x3FFC];
	_ =	sdelay $0x3  }
0x94: {  	_ =	strace s2  }
0x95: {  	s2 =	sld [smem:$0x3FFD];
	_ =	sdelay $0x3  }
0x96: {  	_ =	strace s2  }
0x97: {  	_ =	strace $0x8FFFFFFF  }
0x98: {  	s18 =	sld [smem:$0x3FDB];
	_ =	sdelay $0x1  }
0x99: {  	s19 =	simm.s32 $_scs_section_size  }
0x9a: {  	s4 =	simm.s32 $_size__tile_overlayer_lowered;
	s5 =	simm.s32 $_tile_overlayer_lowered  }
0x9b: {  	s22 =	simm.s32 $0x1BFF;
	s21 =	sshll.u32 s5, $0x1;
	s2 =	sadd.s32 s19, s18  }
0x9c: {  	s6 =	simm.s32 $0x0;
	s20 =	sshll.u32 s4, $0x1;
	s4 =	sadd.s32 s21, s2  }
0x9d: {  	[timem:s6], [sflag:s22] =	dma.local [hbm:s4], s20  }
0x9e: {  	_ =	swait.ge [sflag:s22], s20  }
0x9f: {  	s3 =	ssub.s32 $0x0, s20;
	[sflag:s22] =	ssyncset.done $0x0  }
0xa0: {  	[sflag:s22] =	ssyncadd.s32 s3;
	_ =	sdelay $0x1  }
0xa1: {  	s23 =	simm.s32 $0x1B8B  }
0xa2: {  	_ =	swait.ge [sflag:s23], $0x1  }
0xa3: {  	[sflag:s23] =	ssyncset.done $0x0  }
0xa4: {  	s25 =	simm.s32 $0x1B8E;
	s24 =	sld [smem:$0x3FFE];
	[sflag:s23] =	ssyncadd.s32 $0xFFFFFFFF  }
0xa5: {  	s26 =	simm.s32 $execute0_lowered;
	[smem:$0x3FD2] =	sst s25  }
0xa6: {  	s4 =	sshll.u32 s26, $0x1;
	_ =	strace $0x80000046;
	[dreg:$0x1] =	wrdreg $0xFFFFFFFF  }
0xa7: {  	s28 =	simm.s32 $_size_execute0_lowered;
	s2 =	sadd.s32 s2, s4;
	[dreg:$0x0] =	wrdreg $0x0  }
0xa8: {  	s4 =	sshll.u32 s28, $0x1;
	[dreg:$0x2] =	wrdreg s2  }
0xa9: {  	[dreg:$0x3] =	wrdreg s4  }
0xaa: {  	[dreg:$0x4] =	wrdreg $0xC0  }
0xab: {  	_ =	task [dreg:s6], $0x5FFFF  }
0xac: {  	[dreg:$0x1] =	wrdreg $0xFFFFFFFF  }
0xad: {  	[dreg:$0x0] =	wrdreg $0x60  }
0xae: {  	[dreg:$0x2] =	wrdreg s24  }
0xaf: {  	[dreg:$0x3] =	wrdreg $0x2B000  }
0xb0: {  	[dreg:$0x4] =	wrdreg $0x9  }
0xb1: {  	_ =	task.clear_ibuf [dreg:s6], $0x5FFFF;
	_ =	strace $0x90000046  }
0xb2: {  	s29 =	simm.s32 $0x9;
	_ =	strace $0x80000048  }
0xb3: {  	_ =	swait.ge [sflag:s29], $0x1  }
0xb4: {  	[sflag:s29] =	ssyncadd.s32 $0xFFFFFFFF  }
0xb5: {  	_ =	strace $0x90000048  }
0xb6: {  	_ =	sfence  }
0xb7: {  	s30 =	sld [smem:$0x0];
	_ =	sdelay $0x2  }
0xb8: {  	s31 =	sshll.u32 s1, $0xD;
	s1 =	sshrl.u32 s1, $0x2  }
0xb9: {  	s3 =	sand.u32 $0x4000, s31;
	s1 =	sadd.s32 s1, s30  }
0xba: {  	s0 =	sor.u32 s3, s0;
	s1 =	sshll.u32 s1, $0x11  }
0xbb: {  	s0 =	sor.u32 s1, s0  }
0xbc: {  	s0 =	sadd.s32 $0x8F2B, s0  }
0xbd: {  	[sflag:s0] =	ssyncadd.remote.s32 $0x1  }
0xbe: {  	_ =	sfence.sel $0xFFFF  }
0xbf: {  	[dreg:$0x0] =	wrdreg $0xFFFFFFFF;
	(pc) =	sbr.abs _section_cstart, $3  }
0xc0: {  	[dreg:$0x1] =	wrdreg $0xFFFFFFFF  }
0xc1: {  	_ =	task.clear_ibuf [dreg:s6], $0x2FFFF;
	_ =	strace $0x9FFFFFFF  }
0xc2: {  	(tm) =	ssettm $0x7FFFFFFF  }
0xc3: {  	_ =	shalt  }
tec
execute0_lowered:
.L_overlay_start_1:
0x0: {  	(tag) =	ssettag $0x1  }
0x1: {  	s4 =	rddreg [dreg:$0x0];
	s0 =	srdreg.scid  }
0x2: {  	s2 =	rddreg [dreg:$0x1];
	s1 =	stileid.u32  }
0x3: {  	s3 =	simm.s32 $0x0;
	s10 =	simm.s32 $0x80;
	s11 =	simm.s32 $0x2800  }
0x4: {  	s14 =	simm.s32 $0x20;
	s15 =	simm.s32 $0x10;
	s16 =	simm.s32 $0x0  }
0x5: {  	s5 =	sand.u32 $0x1, s0;
	s0 =	rddreg [dreg:$0x2];
	s7 =	smul.u32 $0x500, s1  }
0x6: {  	[smem:$0x7FF] =	sst s3;
	s30 =	smul.u32 $0xA00, s1;
	s12 =	sshll.u32 s1, $0x6  }
0x7: {  	s6 =	sshll.u32 s5, $0x4;
	s8 =	sshll.u32 s5, $0x7;
	_ =	strace $0x80000047  }
0x8: {  	s5 =	ssub.s32 $0x2, s5;
	s12 =	sor.u32 $0x1C01, s12;
	s6 =	sor.u32 s1, s6  }
0x9: {  	s7 =	sor.u32 s8, s7;
	s31 =	sshrl.u32 s5, $0x1;
	s6 =	smul.u32 $0x500, s6  }
0xa: {  	s8 =	sshrl.u32 s30, $0x2;
	s7 =	sshrl.u32 s7, $0x3;
	s9 =	ssub.s32 s5, s31  }
0xb: {  	s5 =	sadd.s32 s8, s2;
	s8 =	simm.s32 $0x1;
	s6 =	sadd.s32 s6, s4  }
0xc: {  	s7 =	sadd.s32 s7, s4;
	s13 =	sshrl.u32 s5, $0x3;
	s4 =	sadd.s32 $0xC200, s6  }
0xd: {  	v0 =	vimm.f32 $1.000000000e+00;
	v1 =	vimm.f32 $0.0e+00;
	s6 =	sadd.s32 $0x16200, s7;
	s7 =	smax.u32 s9, $0x1;
	s9 =	simm.s32 $0x2880  }
.LBB2_1:
0xe: {  	[tilespmem:s3], [sflag:$0x1] =	stream.linear.gather [hbm4b:s4+s3], $0x2800, $0x38;
	[tilespmem:$0x2D80] =	vst v63  }
0xf: {  	_ =	swait.ge [sflag:s8], $0x2800  }
0x10: {  	[sflag:s8] =	ssyncset.done $0x0  }
0x11: {  	[sflag:s8] =	ssyncadd.s32 $0xFFFFD800  }
0x12: {  	[tilespmem:$0x2800] =	vst v0  }
0x13: {  	[tilespmem:$0x2810] =	vst v0  }
0x14: {  	[tilespmem:$0x2820] =	vst v0  }
0x15: {  	[tilespmem:$0x2830] =	vst v0  }
0x16: {  	[tilespmem:$0x2840] =	vst v0  }
0x17: {  	[tilespmem:$0x2850] =	vst v0  }
0x18: {  	[tilespmem:$0x2860] =	vst v0  }
0x19: {  	[tilespmem:$0x2870] =	vst v0  }
0x1a: {  	[tilespmem:$0x2880] =	vst v1  }
0x1b: {  	[tilespmem:$0x2890] =	vst v1  }
0x1c: {  	[tilespmem:$0x28A0] =	vst v1  }
0x1d: {  	[tilespmem:$0x28B0] =	vst v1  }
0x1e: {  	[tilespmem:$0x28C0] =	vst v1  }
0x1f: {  	[tilespmem:$0x28D0] =	vst v1  }
0x20: {  	[tilespmem:$0x28E0] =	vst v1  }
0x21: {  	[tilespmem:$0x28F0] =	vst v1  }
0x22: {  	[tilespmem:$0x2900] =	vst v1  }
0x23: {  	[tilespmem:$0x2910] =	vst v1  }
0x24: {  	[tilespmem:$0x2920] =	vst v1  }
0x25: {  	[tilespmem:$0x2930] =	vst v1  }
0x26: {  	[tilespmem:$0x2940] =	vst v1  }
0x27: {  	[tilespmem:$0x2950] =	vst v1  }
0x28: {  	[tilespmem:$0x2960] =	vst v1  }
0x29: {  	[tilespmem:$0x2970] =	vst v1  }
0x2a: {  	[tilespmem:$0x2980] =	vst v1  }
0x2b: {  	[tilespmem:$0x2990] =	vst v1  }
0x2c: {  	[tilespmem:$0x29A0] =	vst v1  }
0x2d: {  	[tilespmem:$0x29B0] =	vst v1  }
0x2e: {  	[tilespmem:$0x29C0] =	vst v1  }
0x2f: {  	[tilespmem:$0x29D0] =	vst v1  }
0x30: {  	[tilespmem:$0x29E0] =	vst v1  }
0x31: {  	[tilespmem:$0x29F0] =	vst v1  }
0x32: {  	[tilespmem:$0x2A00] =	vst v1  }
0x33: {  	[tilespmem:$0x2A10] =	vst v1  }
0x34: {  	[tilespmem:$0x2A20] =	vst v1  }
0x35: {  	[tilespmem:$0x2A30] =	vst v1  }
0x36: {  	[tilespmem:$0x2A40] =	vst v1  }
0x37: {  	[tilespmem:$0x2A50] =	vst v1  }
0x38: {  	[tilespmem:$0x2A60] =	vst v1  }
0x39: {  	[tilespmem:$0x2A70] =	vst v1  }
0x3a: {  	[tilespmem:$0x2A80] =	vst v1  }
0x3b: {  	[tilespmem:$0x2A90] =	vst v1  }
0x3c: {  	[tilespmem:$0x2AA0] =	vst v1  }
0x3d: {  	[tilespmem:$0x2AB0] =	vst v1  }
0x3e: {  	[tilespmem:$0x2AC0] =	vst v1  }
0x3f: {  	[tilespmem:$0x2AD0] =	vst v1  }
0x40: {  	[tilespmem:$0x2AE0] =	vst v1  }
0x41: {  	[tilespmem:$0x2AF0] =	vst v1  }
0x42: {  	[spmem:s5] =	stream.linear.scatter [tilespmem:s9], [sflag:$0x1], $0x280, $0x38;
	[tilespmem:$0x2D80] =	vst v63  }
0x43: {  	_ =	swait.ge [sflag:s8], $0x280  }
0x44: {  	[sflag:s8] =	ssyncset.done $0x0  }
0x45: {  	[sflag:s8] =	ssyncadd.s32 $0xFFFFFD80  }
0x46: {  	s17 =	simm.s32 $0x0;
	[bflag:$0x0] =	sbarrier.arrive $0xFFFF  }
0x47: {  	[spmem:s2] =	stream.indirect.scatter.add.f32 [tilespmem:s11], [sflag:$0x1], $0x1, s17, s10, $0xb8;
	[tilespmem:$0x2D80] =	vst v63  }
0x48: {  	_ =	swait.ge [sflag:s8], $0x80  }
0x49: {  	s17 =	simm.s32 $0x200;
	[sflag:s8] =	ssyncset.done $0x0  }
.LBB2_2:
0x4a: {  	s18 =	sshra.s32 s17, $0x2;
	[sflag:s8] =	ssyncadd.s32 $0xFFFFFF80;
	p0 =	sne.s32 s17, $0x9E00  }
0x4b: {  	[spmem:s2] =	stream.indirect.scatter.add.f32 [tilespmem:s11], [sflag:$0x1], $0x1, s18, s10, $0xb8;
	[tilespmem:$0x2D80] =	vst v63  }
.Ltmp0:
0x4c: {  	_ = 	snop;
	(pc) =	sbr.rel @p0 .LBB2_2-.Ltmp0, $4  }
0x4d: {  	_ = 	snop  }
0x4e: {  	s17 =	sadd.s32 $0x200, s17  }
0x4f: {  	_ =	swait.ge [sflag:s8], $0x80  }
0x50: {  	[sflag:s8] =	ssyncset.done $0x0  }
0x51: {  	s16 =	sadd.s32 $0x1, s16  }
0x52: {  	[sflag:s8] =	ssyncadd.s32 $0xFFFFFF80;
	p0 =	sne.s32 s16, s7  }
.Ltmp1:
0x53: {  	[bflag:$0x0] =	sbarrier.arrive $0xFFFF;
	(pc) =	sbr.rel @p0 .LBB2_1-.Ltmp1, $4  }
0x54: {  	[hbm:s6@s14], [sflag:s12] =	dma.strided [spmem:s13@s15], $0x50, s8, $0x10   }
0x55: {  	_ =	swait.ge [sflag:s8], $0x50  }
0x56: {  	[sflag:s8] =	ssyncset.done $0x0  }
0x57: {  	[sflag:s8] =	ssyncadd.s32 $0xFFFFFFB0  }
0x58: {  	_ =	sfence.sel $0x180000  }
0x59: {  	[bflag:$0x0] =	sbarrier.arrive $0xFFFF  }
0x5a: {  	p0 =	sne.s32 s1, $0x0;
	_ =	strace $0x90000047  }
0x5b: {  	s0 =	sadd.s32 @!p0 $0x100000, s0;
	[bflag:$0x2] =	sbarrier.arrive $0xFFFF  }
0x5c: {  	[sflag:s0] =	ssyncadd.tile.s32 @!p0 $0x1;
	_ =	shalt  }
.Lfunc_end2:
_tile_overlayer_lowered:
.L_overlay_start_2:
0x5d: {  	(tag) =	ssettag $0x2  }
0x5e: {  	s0 =	rddreg [dreg:$0x0];
	s2 =	stileid.u32  }
0x5f: {  	s1 =	rddreg [dreg:$0x1];
	p0 =	sne.s32 s2, $0x0  }
0x60: {  	s3 =	rddreg [dreg:$0x2];
	[bflag:$0x3] =	sbarrier.arrive $0xFFFF;
	s2 =	simm.s32 @!p0 $0x1C01  }
0x61: {  	[timem:s3], [sflag:s2] =	dma.local @!p0 [hbm:s0], s1  }
0x62: {  	s0 =	simm.s32 @!p0 $0x1  }
0x63: {  	_ =	swait.ge @!p0 [sflag:s0], s1  }
0x64: {  	s1 =	ssub.s32 @!p0 $0x0, s1;
	[sflag:s0] =	ssyncset.done @!p0 $0x0  }
0x65: {  	[sflag:s0] =	ssyncadd.s32 @!p0 s1  }
0x66: {  	[bflag:$0x3] =	sbarrier.arrive $0xFFFF  }
0x67: {  	_ =	shalt  }

// kernel: kernel.9.cloned.1.call-start
scs
__scs_entry_jumppad:
0x0: {  	(pc) =	sbr.rel $0x88, $3  }
0x1: {  	(tag) =	ssettag $0x0;
	lr =	simm.s32 $0x1  }
0x2: {  	[smem:$0x3F9A] =	sst lr;
	_ =	strace $0xD0000000  }
0x3: {  	_ = 	snop  }
0x4: {  	_ = 	snop  }
0x5: {  	_ = 	snop  }
0x6: {  	_ = 	snop  }
0x7: {  	_ = 	snop  }
__scs_overlays_trampoline_lowered:
0x8: {  	[smem:$0x3FA9] =	sst s0  }
0x9: {  	[smem:$0x3FAA] =	sst s1  }
0xa: {  	[smem:$0x3FAB] =	sst s2  }
0xb: {  	[smem:$0x3FAC] =	sst s3  }
0xc: {  	[smem:$0x3FAD] =	sst s4  }
0xd: {  	[smem:$0x3FAE] =	sst s5  }
0xe: {  	[smem:$0x3FAF] =	sst s6  }
0xf: {  	[smem:$0x3FB0] =	sst s7  }
0x10: {  	[smem:$0x3FB1] =	sst s8  }
0x11: {  	[smem:$0x3FB2] =	sst s9;
	s0 =	simm.s32 @!p0 $0x0  }
0x12: {  	s1 =	sld [smem:$0x3F98];
	s0 =	simm.s32 @p0 $0x1  }
0x13: {  	[smem:$0x3FB3] =	sst s0;
	s0 =	simm.s32 @!p1 $0x0  }
0x14: {  	s2 =	sld [smem:$0x3F97];
	s0 =	simm.s32 @p1 $0x1  }
0x15: {  	[smem:$0x3FB4] =	sst s0;
	s0 =	simm.s32 @!p2 $0x0  }
0x16: {  	s3 =	sld [smem:$0x3FDB];
	s0 =	simm.s32 @p2 $0x1  }
0x17: {  	s4 =	simm.s32 $0x1BF5;
	[smem:$0x3FB6] =	sst s0  }
0x18: {  	s0 =	sld [smem:$0x3F99];
	_ =	swait.ge [sflag:s4], $0x0  }
0x19: {  	s7 =	sld [smem:$0x3F9A]  }
0x1a: {  	s8 =	sadd.s32 $0xFFFFE003, lr  }
0x1b: {  	s9 =	sadd.s32 $0xFFFFFEF7, lr;
	s5 =	simm.s32 $0xFFFFFFFF;
	p2 =	slt.u32 s8, $0xFFFFF086  }
0x1c: {  	p1 =	slt.u32 s9, $0xF7A;
	s5 =	simm.s32 @!p2 $0x0  }
0x1d: {  	s5 =	simm.s32 @p1 $0x1;
	p0 =	seq.s32 s7, s2  }
0x1e: {  	s7 =	smul.u32 @!p0 $0xF7A, s2;
	p2 =	seq.s32 @!p0 s5, $0x0  }
0x1f: {  	s9 =	smul.u32 $0xF7A, s1;
	s8 =	simm.s32 @!p0 $0x1BF5;
	p2 =	por !p2, p0  }
0x20: {  	[sflag:s8] =	ssyncset.s32 @!p0 $0xFFFFF086;
	s6 =	sadd.s32 @!p0 s3, s7;
	s7 =	simm.s32 @!p0 $0x108  }
0x21: {  	s3 =	sadd.s32 s3, s9;
	s6 =	sadd.s32 @!p0 $0x88, s6;
	s7 =	simm.s32 @p2 $0x1082  }
0x22: {  	[simem:s7], [sflag:s8] =	dma.local @!p0 [hbm:s6], $0xF7A  }
0x23: {  	s9 =	sor.u32 $0xD0000000, s2;
	s6 =	simm.s32 $0x108;
	_ =	swait.ge @!p0 [sflag:s8], $0x0  }
0x24: {  	s3 =	sadd.s32 $0x88, s3;
	s6 =	simm.s32 @!p1 $0x1082;
	[sflag:s4] =	ssyncset.s32 $0xFFFFF086  }
0x25: {  	[simem:s6], [sflag:s4] =	dma.local [hbm:s3], $0xF7A  }
0x26: {  	[smem:$0x3F9A] =	sst s1;
	(tag) =	ssettag s2;
	_ =	strace s9  }
0x27: {  	s1 =	sld [smem:$0x3FAA]  }
0x28: {  	s2 =	sld [smem:$0x3FAB]  }
0x29: {  	s4 =	sld [smem:$0x3FAD]  }
0x2a: {  	p0 =	seq.s32 s5, $0x0;
	s5 =	sld [smem:$0x3FAE]  }
0x2b: {  	s6 =	sld [smem:$0x3FAF]  }
0x2c: {  	s7 =	sld [smem:$0x3FB0]  }
0x2d: {  	s3 =	simm.s32 $0x108;
	s8 =	sld [smem:$0x3FB1]  }
0x2e: {  	s3 =	simm.s32 @!p0 $0x1082;
	s9 =	sld [smem:$0x3FB2]  }
0x2f: {  	lr =	sadd.s32 s0, s3;
	s0 =	sld [smem:$0x3FA9]  }
0x30: {  	s3 =	sld [smem:$0x3FAC]  }
0x31: {  	[smem:$0x3FB5] =	sst s10  }
0x32: {  	s10 =	sld [smem:$0x3FB3];
	_ =	sdelay $0x3  }
0x33: {  	p0 =	seq.s32 s10, $0x1;
	s10 =	sld [smem:$0x3FB5];
	_ =	sdelay $0x3  }
0x34: {  	[smem:$0x3FB5] =	sst s10  }
0x35: {  	s10 =	sld [smem:$0x3FB4];
	_ =	sdelay $0x3  }
0x36: {  	p1 =	seq.s32 s10, $0x1;
	s10 =	sld [smem:$0x3FB5];
	_ =	sdelay $0x3  }
0x37: {  	[smem:$0x3FB5] =	sst s10  }
0x38: {  	s10 =	sld [smem:$0x3FB6]  }
0x39: {  	_ = 	snop;
	(pc) =	sbr.ind lr, $3  }
0x3a: {  	_ = 	snop  }
0x3b: {  	_ = 	snop  }
0x3c: {  	p2 =	seq.s32 s10, $0x1;
	s10 =	sld [smem:$0x3FB5]  }
0x3d: {  	_ =	shalt  }
0x3e: {  	_ =	shalt  }
0x3f: {  	_ =	shalt  }
0x40: {  	_ =	shalt  }
0x41: {  	_ =	shalt  }
0x42: {  	_ =	shalt  }
0x43: {  	_ =	shalt  }
0x44: {  	_ =	shalt  }
0x45: {  	_ =	shalt  }
0x46: {  	_ =	shalt  }
0x47: {  	_ =	shalt  }
0x48: {  	_ =	shalt  }
0x49: {  	_ =	shalt  }
0x4a: {  	_ =	shalt  }
0x4b: {  	_ =	shalt  }
0x4c: {  	_ =	shalt  }
0x4d: {  	_ =	shalt  }
0x4e: {  	_ =	shalt  }
0x4f: {  	_ =	shalt  }
0x50: {  	_ =	shalt  }
0x51: {  	_ =	shalt  }
0x52: {  	_ =	shalt  }
0x53: {  	_ =	shalt  }
0x54: {  	_ =	shalt  }
0x55: {  	_ =	shalt  }
0x56: {  	_ =	shalt  }
0x57: {  	_ =	shalt  }
0x58: {  	_ =	shalt  }
0x59: {  	_ =	shalt  }
0x5a: {  	_ =	shalt  }
0x5b: {  	_ =	shalt  }
0x5c: {  	_ =	shalt  }
0x5d: {  	_ =	shalt  }
0x5e: {  	_ =	shalt  }
0x5f: {  	_ =	shalt  }
0x60: {  	_ =	shalt  }
0x61: {  	_ =	shalt  }
0x62: {  	_ =	shalt  }
0x63: {  	_ =	shalt  }
0x64: {  	_ =	shalt  }
0x65: {  	_ =	shalt  }
0x66: {  	_ =	shalt  }
0x67: {  	_ =	shalt  }
0x68: {  	_ =	shalt  }
0x69: {  	_ =	shalt  }
0x6a: {  	_ =	shalt  }
0x6b: {  	_ =	shalt  }
0x6c: {  	_ =	shalt  }
0x6d: {  	_ =	shalt  }
0x6e: {  	_ =	shalt  }
0x6f: {  	_ =	shalt  }
0x70: {  	_ =	shalt  }
0x71: {  	_ =	shalt  }
0x72: {  	_ =	shalt  }
0x73: {  	_ =	shalt  }
0x74: {  	_ =	shalt  }
0x75: {  	_ =	shalt  }
0x76: {  	_ =	shalt  }
0x77: {  	_ =	shalt  }
0x78: {  	_ =	shalt  }
0x79: {  	_ =	shalt  }
0x7a: {  	_ =	shalt  }
0x7b: {  	_ =	shalt  }
0x7c: {  	_ =	shalt  }
0x7d: {  	_ =	shalt  }
0x7e: {  	_ =	shalt  }
0x7f: {  	_ =	shalt  }
0x80: {  	_ =	shalt  }
0x81: {  	_ =	shalt  }
0x82: {  	_ =	shalt  }
0x83: {  	_ =	shalt  }
0x84: {  	_ =	shalt  }
0x85: {  	_ =	shalt  }
0x86: {  	_ =	shalt  }
0x87: {  	_ =	shalt  }
.Lfunc_end0:
.L_simem_size_0:
called_computation.1_lowered:
.L_overlay_start_0:
0x88: {  	s2 =	sld [smem:$0x3FD9]  }
0x89: {  	s3 =	sld [smem:$0x3FFE];
	_ =	sdelay $0x1  }
0x8a: {  	s1 =	srdreg.scid  }
0x8b: {  	s0 =	sand.u32 $0x1, s1  }
0x8c: {  	s16 =	sshll.u32 s0, $0xA;
	s2 =	sadd.s32 s3, s2  }
0x8d: {  	s2 =	sadd.s32 s2, s16  }
0x8e: {  	[smem:$0x3FC1] =	sst s2  }
0x8f: {  	_ = 	snop  }
0x90: {  	(tm) =	ssettm $0x1  }
0x91: {  	s17 =	sld [smem:$0x3FFB];
	_ =	sdelay $0x3  }
0x92: {  	_ =	strace s17  }
0x93: {  	s2 =	sld [smem:$0x3FFC];
	_ =	sdelay $0x3  }
0x94: {  	_ =	strace s2  }
0x95: {  	s2 =	sld [smem:$0x3FFD];
	_ =	sdelay $0x3  }
0x96: {  	_ =	strace s2  }
0x97: {  	_ =	strace $0x8FFFFFFF  }
0x98: {  	s18 =	sld [smem:$0x3FDB];
	_ =	sdelay $0x1  }
0x99: {  	s19 =	simm.s32 $_scs_section_size  }
0x9a: {  	s4 =	simm.s32 $_size__tile_overlayer_lowered;
	s5 =	simm.s32 $_tile_overlayer_lowered  }
0x9b: {  	s22 =	simm.s32 $0x1BFF;
	s21 =	sshll.u32 s5, $0x1;
	s2 =	sadd.s32 s19, s18  }
0x9c: {  	s6 =	simm.s32 $0x0;
	s20 =	sshll.u32 s4, $0x1;
	s4 =	sadd.s32 s21, s2  }
0x9d: {  	[timem:s6], [sflag:s22] =	dma.local [hbm:s4], s20  }
0x9e: {  	_ =	swait.ge [sflag:s22], s20  }
0x9f: {  	s3 =	ssub.s32 $0x0, s20;
	[sflag:s22] =	ssyncset.done $0x0  }
0xa0: {  	[sflag:s22] =	ssyncadd.s32 s3;
	_ =	sdelay $0x1  }
0xa1: {  	s23 =	simm.s32 $0x1B8B  }
0xa2: {  	_ =	swait.ge [sflag:s23], $0x1  }
0xa3: {  	[sflag:s23] =	ssyncset.done $0x0  }
0xa4: {  	s25 =	simm.s32 $0x1B8E;
	s24 =	sld [smem:$0x3FFE];
	[sflag:s23] =	ssyncadd.s32 $0xFFFFFFFF  }
0xa5: {  	s26 =	simm.s32 $execute0_lowered;
	[smem:$0x3FD2] =	sst s25  }
0xa6: {  	s4 =	sshll.u32 s26, $0x1;
	_ =	strace $0x80000049;
	[dreg:$0x1] =	wrdreg $0xFFFFFFFF  }
0xa7: {  	s28 =	simm.s32 $_size_execute0_lowered;
	s2 =	sadd.s32 s2, s4;
	[dreg:$0x0] =	wrdreg $0x0  }
0xa8: {  	s4 =	sshll.u32 s28, $0x1;
	[dreg:$0x2] =	wrdreg s2  }
0xa9: {  	[dreg:$0x3] =	wrdreg s4  }
0xaa: {  	[dreg:$0x4] =	wrdreg $0xC0  }
0xab: {  	_ =	task [dreg:s6], $0x5FFFF  }
0xac: {  	[dreg:$0x1] =	wrdreg $0xFFFFFFFF  }
0xad: {  	[dreg:$0x0] =	wrdreg $0x60  }
0xae: {  	[dreg:$0x2] =	wrdreg s24  }
0xaf: {  	[dreg:$0x3] =	wrdreg $0xBC000  }
0xb0: {  	[dreg:$0x4] =	wrdreg $0x9  }
0xb1: {  	_ =	task.clear_ibuf [dreg:s6], $0x5FFFF;
	_ =	strace $0x90000049  }
0xb2: {  	s29 =	simm.s32 $0x9;
	_ =	strace $0x8000004B  }
0xb3: {  	_ =	swait.ge [sflag:s29], $0x1  }
0xb4: {  	[sflag:s29] =	ssyncadd.s32 $0xFFFFFFFF  }
0xb5: {  	_ =	strace $0x9000004B  }
0xb6: {  	_ =	sfence  }
0xb7: {  	s30 =	sld [smem:$0x0];
	_ =	sdelay $0x2  }
0xb8: {  	s31 =	sshll.u32 s1, $0xD;
	s1 =	sshrl.u32 s1, $0x2  }
0xb9: {  	s3 =	sand.u32 $0x4000, s31;
	s1 =	sadd.s32 s1, s30  }
0xba: {  	s0 =	sor.u32 s3, s0;
	s1 =	sshll.u32 s1, $0x11  }
0xbb: {  	s0 =	sor.u32 s1, s0  }
0xbc: {  	s0 =	sadd.s32 $0x8F2B, s0  }
0xbd: {  	[sflag:s0] =	ssyncadd.remote.s32 $0x1  }
0xbe: {  	_ =	sfence.sel $0xFFFF  }
0xbf: {  	[dreg:$0x0] =	wrdreg $0xFFFFFFFF;
	(pc) =	sbr.abs _section_cstart, $3  }
0xc0: {  	[dreg:$0x1] =	wrdreg $0xFFFFFFFF  }
0xc1: {  	_ =	task.clear_ibuf [dreg:s6], $0x2FFFF;
	_ =	strace $0x9FFFFFFF  }
0xc2: {  	(tm) =	ssettm $0x7FFFFFFF  }
0xc3: {  	_ =	shalt  }
tec
execute0_lowered:
.L_overlay_start_1:
0x0: {  	(tag) =	ssettag $0x1  }
0x1: {  	s0 =	srdreg.scid  }
0x2: {  	s28 =	stileid.u32;
	s6 =	rddreg [dreg:$0x0]  }
0x3: {  	s2 =	rddreg [dreg:$0x1];
	s3 =	simm.s32 $0x0;
	s14 =	simm.s32 $0x3C00  }
0x4: {  	s15 =	simm.s32 $0x7C00;
	s18 =	simm.s32 $0x1;
	s19 =	simm.s32 $0x2  }
0x5: {  	s20 =	simm.s32 $0x3B00;
	s21 =	simm.s32 $0x3B80;
	s22 =	simm.s32 $0x0  }
0x6: {  	s5 =	sand.u32 $0x1, s0;
	s8 =	smul.u32 $0x14000, s28;
	[smem:$0x7FF] =	sst s3  }
0x7: {  	s4 =	sadd.s32 $0x66200, s6;
	s11 =	smul.u32 $0x50000, s28;
	s16 =	sshll.u32 s28, $0x6  }
0x8: {  	s1 =	sshll.u32 s5, $0x4;
	s9 =	smul.u32 $0x140000, s5;
	_ =	strace $0x8000004A  }
0x9: {  	s5 =	ssub.s32 $0x2, s5;
	s16 =	sor.u32 $0x1C03, s16;
	s1 =	sor.u32 s28, s1  }
0xa: {  	s30 =	sshrl.u32 s5, $0x1;
	s31 =	sshrl.u32 s11, $0x2;
	s7 =	smul.u32 $0x2800, s1  }
0xb: {  	s11 =	simm.s32 $0x3;
	s29 =	sadd.s32 s8, s9;
	s13 =	ssub.s32 s5, s30  }
0xc: {  	s8 =	sshrl.u32 s8, $0x3;
	s17 =	sadd.s32 s31, s2;
	s7 =	sshrl.u32 s7, $0x3  }
0xd: {  	s17 =	sshrl.u32 s17, $0x3;
	s10 =	sadd.s32 s7, s6;
	s7 =	sshrl.u32 s29, $0x3  }
0xe: {  	s12 =	sadd.s32 s7, s6;
	s5 =	sadd.s32 $0x2200, s10;
	s6 =	sadd.s32 $0xC200, s10  }
0xf: {  	s7 =	sadd.s32 s4, s8;
	s8 =	sadd.s32 $0xC480, s10;
	s10 =	smax.u32 s13, $0x1  }
0x10: {  	s13 =	simm.s32 $0x80;
	s9 =	sadd.s32 $0x8E200, s12;
	s12 =	simm.s32 $0x2800  }
.LBB2_1:
0x11: {  	[tilespmem:s3], [sflag:$0x3] =	stream.linear.gather [hbm4b:s5+s3], $0x2800, $0x38;
	[tilespmem:$0x1FC00] =	vst v63  }
0x12: {  	_ =	swait.ge [sflag:s11], $0x2800  }
0x13: {  	[sflag:s11] =	ssyncset.done $0x0  }
0x14: {  	[sflag:s11] =	ssyncadd.s32 $0xFFFFD800  }
0x15: {  	[tilespmem:s12], [sflag:$0x3] =	stream.linear.gather [hbm4b:s6+s3], $0x1400, $0x38;
	[tilespmem:$0x1FC00] =	vst v63  }
0x16: {  	_ =	swait.ge [sflag:s11], $0x1400  }
0x17: {  	[sflag:s11] =	ssyncset.done $0x0  }
0x18: {  	[sflag:s11] =	ssyncadd.s32 $0xFFFFEC00  }
0x19: {  	[tilespmem:s14], [sflag:$0x1] =	stream.indirect.gather [hbm4b:s4+s13], $0x80, s3, s13, $0xb8;
	[tilespmem:$0x1FC00] =	vst v63  }
0x1a: {  	_ = 	snop  }
0x1b: {  	[tilespmem:s15], [sflag:$0x2] =	stream.indirect.gather [hbm4b:s4+s13], $0x80, s13, s13, $0xb8;
	[tilespmem:$0x1FC00] =	vst v63  }
0x1c: {  	[spmem:s17], [sflag:s16] =	dma.local [hbm:s7], $0x2800  }
0x1d: {  	p0 =	por $0x1, $0x1;
	_ =	swait.ge [sflag:s11], $0x2800  }
0x1e: {  	p0 =	por p0, p0;
	[sflag:s11] =	ssyncset.done $0x0  }
0x1f: {  	s23 =	simm.s32 @!p0 $0x0;
	[sflag:s11] =	ssyncadd.s32 $0xFFFFD800  }
0x20: {  	s24 =	simm.s32 @!p0 $0x2800;
	s25 =	simm.s32 @!p0 $0x3;
	[bflag:$0x0] =	sbarrier.arrive $0xFFFF  }
0x21: {  	[tilespmem:s24], [sflag:$0x3] =	stream.linear.gather @!p0 [hbm4b:s8+s23], $0x1400, $0x38;
	[tilespmem:$0x1FC00] =	vst v63  }
0x22: {  	_ =	swait.ge @!p0 [sflag:s25], $0x1400  }
0x23: {  	[sflag:s25] =	ssyncset.done @!p0 $0x0  }
0x24: {  	s23 =	simm.s32 $0xFFFFEC00;
	[sflag:s25] =	ssyncadd.s32 @!p0 $0xFFFFEC00  }
0x25: {  	s24 =	simm.s32 $0x0;
	p0 =	por $0x0, $0x0;
	_ =	swait.ge [sflag:s18], $0x4000  }
0x26: {  	s24 =	smov.u32 @p0 s23;
	[sflag:s18] =	ssyncset.done $0x0  }
0x27: {  	s23 =	sadd.s32 $0x2800, s24;
	[sflag:s18] =	ssyncadd.s32 $0xFFFFC000  }
0x28: {  	[spmem:s2] =	stream.indirect.scatter.add.f32 [tilespmem:s14], [sflag:$0x3], $0x80, s23, s13, $0xb8;
	[tilespmem:$0x1FC00] =	vst v63  }
0x29: {  	_ =	swait.ge [sflag:s11], $0x4000  }
0x2a: {  	s24 =	simm.s32 $0x1;
	s23 =	simm.s32 $0x7FFFD9;
	[sflag:s11] =	ssyncset.done $0x0  }
0x2b: {  	s30 =	simm.s32 $0x100;
	s24 =	smov.u32 @p0 s23;
	[sflag:s11] =	ssyncadd.s32 $0xFFFFC000  }
0x2c: {  	[tilespmem:s14], [sflag:$0x1] =	stream.indirect.gather [hbm4b:s4+s13], $0x80, s30, s13, $0xb8;
	[tilespmem:$0x1FC00] =	vst v63  }
0x2d: {  	s31 =	sshll.u32 s24, $0x9;
	_ =	swait.ge [sflag:s19], $0x4000  }
0x2e: {  	s26 =	simm.s32 $0x180;
	s23 =	sshra.s32 s31, $0x2;
	[sflag:s19] =	ssyncset.done $0x0  }
0x2f: {  	p6 =	por $0x1, $0x1;
	s23 =	sadd.s32 $0x2800, s23;
	[sflag:s19] =	ssyncadd.s32 $0xFFFFC000  }
0x30: {  	[spmem:s2] =	stream.indirect.scatter.add.f32 [tilespmem:s15], [sflag:$0x3], $0x80, s23, s13, $0xb8;
	[tilespmem:$0x1FC00] =	vst v63  }
0x31: {  	s29 =	simm.s32 $0x200;
	s28 =	simm.s32 $0x1;
	_ =	swait.ge [sflag:s11], $0x4000  }
0x32: {  	s25 =	simm.s32 $0x100;
	p0 =	por p6, p6;
	[sflag:s11] =	ssyncset.done $0x0  }
0x33: {  	s24 =	simm.s32 $0x7FFFDB;
	s23 =	simm.s32 $0x280;
	[sflag:s11] =	ssyncadd.s32 $0xFFFFC000  }
.LBB2_2:
0x34: {  	[tilespmem:s15], [sflag:$0x2] =	stream.indirect.gather [hbm4b:s4+s13], $0x80, s26, s13, $0xb8;
	[tilespmem:$0x1FC00] =	vst v63  }
0x35: {  	s30 =	smov.u32 s29;
	s26 =	smov.u32 s23  }
0x36: {  	s31 =	simm.s32 @!p0 $0x0;
	s1 =	simm.s32 @!p0 $0x2800;
	s0 =	simm.s32 @!p0 $0x3  }
0x37: {  	[tilespmem:s1], [sflag:$0x3] =	stream.linear.gather @!p0 [hbm4b:s8+s31], $0x1400, $0x38;
	[tilespmem:$0x1FC00] =	vst v63  }
0x38: {  	s29 =	sadd.s32 $0x100, s29;
	p2 =	sne.s32 s30, $0x1400;
	_ =	swait.ge @!p0 [sflag:s0], $0x1400  }
0x39: {  	p1 =	sne.s32 s29, $0x2700;
	[sflag:s0] =	ssyncset.done @!p0 $0x0  }
0x3a: {  	[sflag:s0] =	ssyncadd.s32 @!p0 $0xFFFFEC00;
	s0 =	sadd.s32 $0xFF800028, s24;
	p0 =	por p2, p2  }
0x3b: {  	s1 =	sadd.s32 $0xFFFFEC00, s25;
	p2 =	sgt.u32 s28, $0x13;
	_ =	swait.ge [sflag:s18], $0x4000  }
0x3c: {  	s25 =	smov.u32 @p2 s1;
	s0 =	smov.u32 @p2 s24;
	[sflag:s18] =	ssyncset.done $0x0  }
0x3d: {  	s1 =	sadd.s32 $0x2800, s25;
	s0 =	sshll.u32 s0, $0x9;
	[sflag:s18] =	ssyncadd.s32 $0xFFFFC000  }
0x3e: {  	[spmem:s2] =	stream.indirect.scatter.add.f32 [tilespmem:s14], [sflag:$0x3], $0x80, s1, s13, $0xb8;
	[tilespmem:$0x1FC00] =	vst v63  }
0x3f: {  	s25 =	smov.u32 s30;
	s0 =	sshra.s32 s0, $0x2;
	_ =	swait.ge [sflag:s11], $0x4000  }
0x40: {  	[sflag:s11] =	ssyncset.done $0x0  }
0x41: {  	s1 =	sadd.s32 $0xFFFFFF80, s23;
	[sflag:s11] =	ssyncadd.s32 $0xFFFFC000  }
0x42: {  	[tilespmem:s14], [sflag:$0x1] =	stream.indirect.gather [hbm4b:s4+s13], $0x80, s1, s13, $0xb8;
	[tilespmem:$0x1FC00] =	vst v63  }
0x43: {  	_ =	swait.ge [sflag:s19], $0x4000  }
0x44: {  	[sflag:s19] =	ssyncset.done $0x0  }
.Ltmp0:
0x45: {  	s0 =	sadd.s32 $0x2800, s0;
	[sflag:s19] =	ssyncadd.s32 $0xFFFFC000;
	(pc) =	sbr.rel @p1 .LBB2_2-.Ltmp0, $4  }
0x46: {  	[spmem:s2] =	stream.indirect.scatter.add.f32 [tilespmem:s15], [sflag:$0x3], $0x80, s0, s13, $0xb8;
	[tilespmem:$0x1FC00] =	vst v63  }
0x47: {  	_ =	swait.ge [sflag:s11], $0x4000  }
0x48: {  	s24 =	sadd.s32 $0x2, s24;
	[sflag:s11] =	ssyncset.done $0x0  }
0x49: {  	s28 =	sadd.s32 $0x1, s28;
	s23 =	sadd.s32 $0x100, s23;
	[sflag:s11] =	ssyncadd.s32 $0xFFFFC000  }
0x4a: {  	[tilespmem:s15], [sflag:$0x2] =	stream.indirect.gather [hbm4b:s4+s13], $0x80, s26, s13, $0xb8;
	[tilespmem:$0x1FC00] =	vst v63  }
0x4b: {  	s0 =	simm.s32 @!p0 $0x0;
	s1 =	simm.s32 @!p0 $0x2800;
	s26 =	simm.s32 @!p0 $0x3  }
0x4c: {  	[tilespmem:s1], [sflag:$0x3] =	stream.linear.gather @!p0 [hbm4b:s8+s0], $0x1400, $0x38;
	[tilespmem:$0x1FC00] =	vst v63  }
0x4d: {  	_ =	swait.ge @!p0 [sflag:s26], $0x1400  }
0x4e: {  	[sflag:s26] =	ssyncset.done @!p0 $0x0  }
0x4f: {  	[sflag:s26] =	ssyncadd.s32 @!p0 $0xFFFFEC00  }
0x50: {  	s0 =	sadd.s32 $0xFFFFEC00, s25;
	p0 =	sgt.u32 s28, $0x13;
	_ =	swait.ge [sflag:s18], $0x4000  }
0x51: {  	s25 =	smov.u32 @p0 s0;
	[sflag:s18] =	ssyncset.done $0x0  }
0x52: {  	s0 =	sadd.s32 $0x2800, s25;
	[sflag:s18] =	ssyncadd.s32 $0xFFFFC000  }
0x53: {  	[spmem:s2] =	stream.indirect.scatter.add.f32 [tilespmem:s14], [sflag:$0x3], $0x80, s0, s13, $0xb8;
	[tilespmem:$0x1FC00] =	vst v63  }
0x54: {  	_ =	swait.ge [sflag:s11], $0x4000  }
0x55: {  	s0 =	sadd.s32 $0xFF800028, s24;
	[sflag:s11] =	ssyncset.done $0x0  }
0x56: {  	s31 =	sadd.s32 $0xFFFFFF80, s23;
	s0 =	smov.u32 @p0 s24;
	[sflag:s11] =	ssyncadd.s32 $0xFFFFC000  }
0x57: {  	[tilespmem:s14], [sflag:$0x1] =	stream.indirect.gather [hbm4b:s4+s13], $0x80, s31, s13, $0xb8;
	[tilespmem:$0x1FC00] =	vst v63  }
0x58: {  	s0 =	sshll.u32 s0, $0x9;
	_ =	swait.ge [sflag:s19], $0x4000  }
0x59: {  	s0 =	sshra.s32 s0, $0x2;
	[sflag:s19] =	ssyncset.done $0x0  }
0x5a: {  	s0 =	sadd.s32 $0x2800, s0;
	[sflag:s19] =	ssyncadd.s32 $0xFFFFC000  }
0x5b: {  	[spmem:s2] =	stream.indirect.scatter.add.f32 [tilespmem:s15], [sflag:$0x3], $0x80, s0, s13, $0xb8;
	[tilespmem:$0x1FC00] =	vst v63  }
0x5c: {  	_ =	swait.ge [sflag:s11], $0x4000  }
0x5d: {  	[sflag:s11] =	ssyncset.done $0x0  }
0x5e: {  	[sflag:s11] =	ssyncadd.s32 $0xFFFFC000  }
0x5f: {  	[tilespmem:s15], [sflag:$0x2] =	stream.indirect.gather [hbm4b:s4+s13], $0x80, s23, s13, $0xb8;
	[tilespmem:$0x1FC00] =	vst v63  }
0x60: {  	_ =	swait.ge [sflag:s18], $0x4000  }
0x61: {  	[sflag:s18] =	ssyncset.done $0x0  }
0x62: {  	[sflag:s18] =	ssyncadd.s32 $0xFFFFC000  }
0x63: {  	[spmem:s2] =	stream.indirect.scatter.add.f32 [tilespmem:s14], [sflag:$0x3], $0x80, s20, s13, $0xb8;
	[tilespmem:$0x1FC00] =	vst v63  }
0x64: {  	_ =	swait.ge [sflag:s11], $0x4000  }
0x65: {  	[sflag:s11] =	ssyncset.done $0x0  }
0x66: {  	[sflag:s11] =	ssyncadd.s32 $0xFFFFC000  }
0x67: {  	_ =	swait.ge [sflag:s19], $0x4000  }
0x68: {  	[sflag:s19] =	ssyncset.done $0x0  }
0x69: {  	[sflag:s19] =	ssyncadd.s32 $0xFFFFC000  }
0x6a: {  	[spmem:s2] =	stream.indirect.scatter.add.f32 [tilespmem:s15], [sflag:$0x3], $0x80, s21, s13, $0xb8;
	[tilespmem:$0x1FC00] =	vst v63  }
0x6b: {  	_ =	swait.ge [sflag:s11], $0x4000  }
0x6c: {  	s22 =	sadd.s32 $0x1, s22;
	[sflag:s11] =	ssyncset.done $0x0  }
0x6d: {  	p0 =	sne.s32 s22, s10;
	[sflag:s11] =	ssyncadd.s32 $0xFFFFC000  }
.Ltmp1:
0x6e: {  	[bflag:$0x0] =	sbarrier.arrive $0xFFFF;
	(pc) =	sbr.rel @p0 .LBB2_1-.Ltmp1, $4  }
0x6f: {  	[hbm:s9], [sflag:s16] =	dma.local [spmem:s17], $0x2800  }
0x70: {  	_ =	swait.ge [sflag:s11], $0x2800  }
0x71: {  	[sflag:s11] =	ssyncset.done $0x0  }
0x72: {  	[sflag:s11] =	ssyncadd.s32 $0xFFFFD800  }
0x73: {  	_ =	sfence.sel $0x180000  }
0x74: {  	[bflag:$0x0] =	sbarrier.arrive $0xFFFF  }
0x75: {  	_ =	strace $0x9000004A  }
0x76: {  	s0 =	stileid.u32;
	[bflag:$0x2] =	sbarrier.arrive $0xFFFF  }
0x77: {  	p0 =	sne.s32 s0, $0x0;
	s0 =	rddreg [dreg:$0x2]  }
0x78: {  	s0 =	sadd.s32 @!p0 $0x100000, s0  }
0x79: {  	[sflag:s0] =	ssyncadd.tile.s32 @!p0 $0x1;
	_ =	shalt  }
.Lfunc_end2:
_tile_overlayer_lowered:
.L_overlay_start_2:
0x7a: {  	(tag) =	ssettag $0x2  }
0x7b: {  	s0 =	rddreg [dreg:$0x0];
	s2 =	stileid.u32  }
0x7c: {  	s1 =	rddreg [dreg:$0x1];
	p0 =	sne.s32 s2, $0x0  }
0x7d: {  	s3 =	rddreg [dreg:$0x2];
	[bflag:$0x3] =	sbarrier.arrive $0xFFFF;
	s2 =	simm.s32 @!p0 $0x1C03  }
0x7e: {  	[timem:s3], [sflag:s2] =	dma.local @!p0 [hbm:s0], s1  }
0x7f: {  	s0 =	simm.s32 @!p0 $0x3  }
0x80: {  	_ =	swait.ge @!p0 [sflag:s0], s1  }
0x81: {  	s1 =	ssub.s32 @!p0 $0x0, s1;
	[sflag:s0] =	ssyncset.done @!p0 $0x0  }
0x82: {  	[sflag:s0] =	ssyncadd.s32 @!p0 s1  }
0x83: {  	[bflag:$0x3] =	sbarrier.arrive $0xFFFF  }
0x84: {  	_ =	shalt  }

</sc_bundles>
